<compile_context>
chip_gen: v7x
topology: tpu7x:2x2x1
jax: 0.10.2.dev20260603
libtpu: 0.0.44.dev20260713+nightly
codegen_flags: <defaults>
</compile_context>

<pallas_src>
import functools

import jax
import jax.numpy as jnp
from jax import lax
from jax.experimental import pallas as pl
from jax.experimental.pallas import tpu as pltpu
from jax.experimental.pallas import tpu_sc as plsc

N_TASKS = 80
TASK_DIM = 96
BATCH = 16384
OBS_DIM = 512
OUT_DIM = OBS_DIM + TASK_DIM
_TPAD = 96
_L = 16


def _renorm_body(w_ref, out_ref):
    w = w_ref[...]
    ss = jnp.sum(w * w, axis=1, keepdims=True)
    scale = jnp.where(ss > 1.0, lax.rsqrt(ss), 1.0)
    wt = (w * scale).T
    out_ref[...] = jnp.concatenate(
        [wt, jnp.zeros((TASK_DIM, _TPAD - N_TASKS), jnp.float32)], axis=1
    )


def _renorm_table_t(w):
    return pl.pallas_call(
        _renorm_body,
        out_shape=jax.ShapeDtypeStruct((TASK_DIM, _TPAD), jnp.float32),
    )(w)


_info = plsc.get_sparse_core_info()
_NC = _info.num_cores
_NS = _info.num_subcores
_NW = _NC * _NS
_B_PER_W = BATCH // _NW


@functools.partial(
    pl.kernel,
    mesh=plsc.VectorSubcoreMesh(core_axis_name="c", subcore_axis_name="s"),
    out_type=jax.ShapeDtypeStruct((TASK_DIM, BATCH), jnp.float32),
    compiler_params=pltpu.CompilerParams(needs_layout_passes=False),
    scratch_types=[
        pltpu.VMEM((_B_PER_W,), jnp.int32),
        pltpu.VMEM((TASK_DIM, _TPAD), jnp.float32),
        pltpu.VMEM((TASK_DIM, _B_PER_W), jnp.float32),
    ],
)
def _sc_gather_t(task_hbm, table_hbm, embt_hbm, idx_v, table_v, embt_v):
    wid = lax.axis_index("s") * _NC + lax.axis_index("c")
    base = wid * _B_PER_W
    pltpu.sync_copy(task_hbm.at[pl.ds(base, _B_PER_W)], idx_v)
    pltpu.sync_copy(table_hbm, table_v)

    def group(g, carry):
        idx16 = idx_v[pl.ds(g * _L, _L)]
        for c in range(TASK_DIM):
            row = jnp.full((_L,), c, jnp.int32)
            embt_v[c, pl.ds(g * _L, _L)] = plsc.load_gather(table_v, [row, idx16])
        return carry

    lax.fori_loop(0, _B_PER_W // _L, group, 0)
    pltpu.sync_copy(embt_v, embt_hbm.at[:, pl.ds(base, _B_PER_W)])


_TB = 4096
_EB = 32
_TTB = 16384


def _obs_body(obs_ref, out_ref):
    out_ref[...] = obs_ref[...].T


def _tail_body(_, embt_ref, out_ref):
    out_ref[...] = embt_ref[...]


def _assemble(obs, embt):
    out_t0 = pl.pallas_call(
        _obs_body,
        grid=(BATCH // _TB,),
        in_specs=[pl.BlockSpec((_TB, OBS_DIM), lambda i: (i, 0))],
        out_specs=pl.BlockSpec((OBS_DIM, _TB), lambda i: (0, i)),
        out_shape=jax.ShapeDtypeStruct((OUT_DIM, BATCH), jnp.float32),
    )(obs)
    out_t = pl.pallas_call(
        _tail_body,
        grid=(BATCH // _TTB, TASK_DIM // _EB),
        in_specs=[
            pl.BlockSpec(memory_space=pl.ANY),
            pl.BlockSpec((_EB, _TTB), lambda i, r: (r, i)),
        ],
        out_specs=pl.BlockSpec((_EB, _TTB), lambda i, r: (OBS_DIM // _EB + r, i)),
        out_shape=jax.ShapeDtypeStruct((OUT_DIM, BATCH), jnp.float32),
        input_output_aliases={0: 0},
    )(out_t0, embt)
    return out_t


def kernel(obs, task, task_emb_weight):
    table_t = _renorm_table_t(task_emb_weight)
    embt = _sc_gather_t(task, table_t)
    return _assemble(obs, embt).T

# --- scband reference (transcript-rebuilt; emitter-appended) ---
"""Pipeline reference for scband-task-embedder-22033182228824 (READ-ONLY COPY).

The authoritative reference and input builder live on the scoring server;
editing this copy changes nothing except your own understanding.
"""

import jax, jax.numpy as jnp
import numpy as np

N_TASKS = 80
TASK_DIM = 96
BATCH = 16384
OBS_DIM = 512

def setup_inputs(seed: int = 0) -> dict:
    key = jax.random.key(seed)
    k1, k2, k3 = jax.random.split(key, 3)
    obs = jax.random.normal(k1, (BATCH, OBS_DIM), dtype=jnp.float32)
    task = jax.random.randint(k2, (BATCH,), 0, N_TASKS, dtype=jnp.int32)
    # learned parameter: nn.Embedding(len(cfg.tasks), cfg.task_dim, max_norm=1)
    task_emb_weight = jax.random.normal(k3, (N_TASKS, TASK_DIM), dtype=jnp.float32)
    return {"obs": obs, "task": task, "task_emb_weight": task_emb_weight}

def reference(obs, task, task_emb_weight):
    # nn.Embedding with max_norm=1: rows with L2 norm > 1 are renormalized to norm 1
    # before lookup (torch does this in-place on looked-up rows; output is identical
    # to renormalizing then gathering).
    norms = jnp.linalg.norm(task_emb_weight, axis=-1, keepdims=True)
    table_rn = jnp.where(norms > 1.0, task_emb_weight / norms, task_emb_weight)
    emb = jnp.take(table_rn, task, axis=0)  # gather: [B, task_dim]
    # obs is 2D here, emb.shape[0] == B, so no repeat branch triggers
    return jnp.concatenate([obs, emb], axis=-1)

if __name__ == "__main__":
    import jax
    _d = setup_inputs()
    print(jax.jit(kernel)(*tuple(_d.values())))

</pallas_src>

<mosaic_0001>
#map = affine_map<(d0, d1) -> (0)>
#map1 = affine_map<(d0, d1) -> (0, 0)>
module attributes {stable_mosaic.version = 14 : i64} {
  func.func @_sc_gather_t(%arg0: i32, %arg1: i32, %arg2: memref<16384xi32, #tpu.memory_space<hbm>>, %arg3: memref<96x96xf32, #tpu.memory_space<hbm>>, %arg4: memref<96x16384xf32, #tpu.memory_space<hbm>>, %arg5: memref<512xi32, #tpu.memory_space<vmem>>, %arg6: memref<96x96xf32, #tpu.memory_space<vmem>>, %arg7: memref<96x512xf32, #tpu.memory_space<vmem>>) attributes {dimension_semantics = [#tpu.dimension_semantics<core_parallel>, #tpu.dimension_semantics<subcore_parallel>], iteration_bounds = array<i64: 2, 16>, scalar_prefetch = 0 : i64, scratch_operands = 3 : i64, tpu.core_type = #tpu.core_type<sc_vector_subcore>, window_params = [{transform_indices = #map}, {transform_indices = #map1}, {transform_indices = #map1}]} {
    %mul3A = arith.constant 2 : i32
    %mul3A_0 = arith.muli %arg1, %mul3A : i32
    %add3A = arith.addi %mul3A_0, %arg0 : i32
    %mul3A_1 = arith.constant 512 : i32
    %mul3A_2 = arith.muli %add3A, %mul3A_1 : i32
    "tpu.region"() ({
      %run_scoped3A = tpu.sem_alloc : memref<!tpu.dma_semaphore, #tpu.memory_space<semaphore_mem>>
      %dma_start3A = tpu.memref_slice %arg2[%mul3A_2] : memref<16384xi32, #tpu.memory_space<hbm>> -> memref<512xi32, #tpu.memory_space<hbm>>
      %dma_start3A_8 = tpu.memref_slice %arg2[%mul3A_2] : memref<16384xi32, #tpu.memory_space<hbm>> -> memref<512xi32, #tpu.memory_space<hbm>>
      tpu.enqueue_dma source(%dma_start3A_8 : memref<512xi32, #tpu.memory_space<hbm>>) target(%arg5 : memref<512xi32, #tpu.memory_space<vmem>>) target_semaphore(%run_scoped3A : memref<!tpu.dma_semaphore, #tpu.memory_space<semaphore_mem>>)
      %dma_wait3A = tpu.memref_slice %arg2[%mul3A_2] : memref<16384xi32, #tpu.memory_space<hbm>> -> memref<512xi32, #tpu.memory_space<hbm>>
      %dma_wait3A_9 = tpu.memref_slice %arg2[%mul3A_2] : memref<16384xi32, #tpu.memory_space<hbm>> -> memref<512xi32, #tpu.memory_space<hbm>>
      tpu.wait_dma2 semaphore(%run_scoped3A : memref<!tpu.dma_semaphore, #tpu.memory_space<semaphore_mem>>) src(%dma_wait3A_9 : memref<512xi32, #tpu.memory_space<hbm>>) dst(%arg5 : memref<512xi32, #tpu.memory_space<vmem>>)
      tpu.yield
    }) : () -> ()
    "tpu.region"() ({
      %run_scoped3A = tpu.sem_alloc : memref<!tpu.dma_semaphore, #tpu.memory_space<semaphore_mem>>
      tpu.enqueue_dma source(%arg3 : memref<96x96xf32, #tpu.memory_space<hbm>>) target(%arg6 : memref<96x96xf32, #tpu.memory_space<vmem>>) target_semaphore(%run_scoped3A : memref<!tpu.dma_semaphore, #tpu.memory_space<semaphore_mem>>)
      tpu.wait_dma2 semaphore(%run_scoped3A : memref<!tpu.dma_semaphore, #tpu.memory_space<semaphore_mem>>) src(%arg3 : memref<96x96xf32, #tpu.memory_space<hbm>>) dst(%arg6 : memref<96x96xf32, #tpu.memory_space<vmem>>)
      tpu.yield
    }) : () -> ()
    %scan3A = arith.constant 0 : i32
    %scan3A_3 = arith.constant 0 : i32
    %scan3A_4 = arith.constant 32 : i32
    %scan3A_5 = arith.addi %scan3A_3, %scan3A_4 : i32
    %scan3A_6 = arith.constant 1 : i32
    scf.for %scan3A_8 = %scan3A_3 to %scan3A_5 step %scan3A_6  : i32 {
      %mul3A_9 = arith.constant 16 : i32
      %mul3A_10 = arith.muli %scan3A_8, %mul3A_9 : i32
      %get3A = arith.index_cast %mul3A_10 : i32 to index
      %get3A_11 = tpu.vector_load %arg5[%get3A] {strides = array<i32>} : memref<512xi32, #tpu.memory_space<vmem>>, vector<16xi32>,
      %broadcast_in_dim3A = arith.constant 0 : i32
      %broadcast_in_dim3A_12 = vector.broadcast %broadcast_in_dim3A : i32 to vector<16xi32>
      %gather3A = tpu.vector_load_idx %arg6[%broadcast_in_dim3A_12, %get3A_11] : memref<96x96xf32, #tpu.memory_space<vmem>>[vector<16xi32>, vector<16xi32>], vector<16xf32>,
      %mul3A_13 = arith.constant 16 : i32
      %mul3A_14 = arith.muli %scan3A_8, %mul3A_13 : i32
      %swap3A = arith.constant 0 : i32
      %swap3A_15 = arith.index_cast %swap3A : i32 to index
      %swap3A_16 = arith.index_cast %mul3A_14 : i32 to index
      %swap3A_17 = tpu.vector_load %arg7[%swap3A_15, %swap3A_16] {strides = array<i32>} : memref<96x512xf32, #tpu.memory_space<vmem>>, vector<16xf32>,
      tpu.vector_store %arg7[%swap3A_15, %swap3A_16], %gather3A {strides = array<i32>} : memref<96x512xf32, #tpu.memory_space<vmem>>, vector<16xf32>,
      %broadcast_in_dim3A_18 = arith.constant 1 : i32
      %broadcast_in_dim3A_19 = vector.broadcast %broadcast_in_dim3A_18 : i32 to vector<16xi32>
      %gather3A_20 = tpu.vector_load_idx %arg6[%broadcast_in_dim3A_19, %get3A_11] : memref<96x96xf32, #tpu.memory_space<vmem>>[vector<16xi32>, vector<16xi32>], vector<16xf32>,
      %mul3A_21 = arith.constant 16 : i32
      %mul3A_22 = arith.muli %scan3A_8, %mul3A_21 : i32
      %swap3A_23 = arith.constant 1 : i32
      %swap3A_24 = arith.index_cast %swap3A_23 : i32 to index
      %swap3A_25 = arith.index_cast %mul3A_22 : i32 to index
      %swap3A_26 = tpu.vector_load %arg7[%swap3A_24, %swap3A_25] {strides = array<i32>} : memref<96x512xf32, #tpu.memory_space<vmem>>, vector<16xf32>,
      tpu.vector_store %arg7[%swap3A_24, %swap3A_25], %gather3A_20 {strides = array<i32>} : memref<96x512xf32, #tpu.memory_space<vmem>>, vector<16xf32>,
      %broadcast_in_dim3A_27 = arith.constant 2 : i32
      %broadcast_in_dim3A_28 = vector.broadcast %broadcast_in_dim3A_27 : i32 to vector<16xi32>
      %gather3A_29 = tpu.vector_load_idx %arg6[%broadcast_in_dim3A_28, %get3A_11] : memref<96x96xf32, #tpu.memory_space<vmem>>[vector<16xi32>, vector<16xi32>], vector<16xf32>,
      %mul3A_30 = arith.constant 16 : i32
      %mul3A_31 = arith.muli %scan3A_8, %mul3A_30 : i32
      %swap3A_32 = arith.constant 2 : i32
      %swap3A_33 = arith.index_cast %swap3A_32 : i32 to index
      %swap3A_34 = arith.index_cast %mul3A_31 : i32 to index
      %swap3A_35 = tpu.vector_load %arg7[%swap3A_33, %swap3A_34] {strides = array<i32>} : memref<96x512xf32, #tpu.memory_space<vmem>>, vector<16xf32>,
      tpu.vector_store %arg7[%swap3A_33, %swap3A_34], %gather3A_29 {strides = array<i32>} : memref<96x512xf32, #tpu.memory_space<vmem>>, vector<16xf32>,
      %broadcast_in_dim3A_36 = arith.constant 3 : i32
      %broadcast_in_dim3A_37 = vector.broadcast %broadcast_in_dim3A_36 : i32 to vector<16xi32>
      %gather3A_38 = tpu.vector_load_idx %arg6[%broadcast_in_dim3A_37, %get3A_11] : memref<96x96xf32, #tpu.memory_space<vmem>>[vector<16xi32>, vector<16xi32>], vector<16xf32>,
      %mul3A_39 = arith.constant 16 : i32
      %mul3A_40 = arith.muli %scan3A_8, %mul3A_39 : i32
      %swap3A_41 = arith.constant 3 : i32
      %swap3A_42 = arith.index_cast %swap3A_41 : i32 to index
      %swap3A_43 = arith.index_cast %mul3A_40 : i32 to index
      %swap3A_44 = tpu.vector_load %arg7[%swap3A_42, %swap3A_43] {strides = array<i32>} : memref<96x512xf32, #tpu.memory_space<vmem>>, vector<16xf32>,
      tpu.vector_store %arg7[%swap3A_42, %swap3A_43], %gather3A_38 {strides = array<i32>} : memref<96x512xf32, #tpu.memory_space<vmem>>, vector<16xf32>,
      %broadcast_in_dim3A_45 = arith.constant 4 : i32
      %broadcast_in_dim3A_46 = vector.broadcast %broadcast_in_dim3A_45 : i32 to vector<16xi32>
      %gather3A_47 = tpu.vector_load_idx %arg6[%broadcast_in_dim3A_46, %get3A_11] : memref<96x96xf32, #tpu.memory_space<vmem>>[vector<16xi32>, vector<16xi32>], vector<16xf32>,
      %mul3A_48 = arith.constant 16 : i32
      %mul3A_49 = arith.muli %scan3A_8, %mul3A_48 : i32
      %swap3A_50 = arith.constant 4 : i32
      %swap3A_51 = arith.index_cast %swap3A_50 : i32 to index
      %swap3A_52 = arith.index_cast %mul3A_49 : i32 to index
      %swap3A_53 = tpu.vector_load %arg7[%swap3A_51, %swap3A_52] {strides = array<i32>} : memref<96x512xf32, #tpu.memory_space<vmem>>, vector<16xf32>,
      tpu.vector_store %arg7[%swap3A_51, %swap3A_52], %gather3A_47 {strides = array<i32>} : memref<96x512xf32, #tpu.memory_space<vmem>>, vector<16xf32>,
      %broadcast_in_dim3A_54 = arith.constant 5 : i32
      %broadcast_in_dim3A_55 = vector.broadcast %broadcast_in_dim3A_54 : i32 to vector<16xi32>
      %gather3A_56 = tpu.vector_load_idx %arg6[%broadcast_in_dim3A_55, %get3A_11] : memref<96x96xf32, #tpu.memory_space<vmem>>[vector<16xi32>, vector<16xi32>], vector<16xf32>,
      %mul3A_57 = arith.constant 16 : i32
      %mul3A_58 = arith.muli %scan3A_8, %mul3A_57 : i32
      %swap3A_59 = arith.constant 5 : i32
      %swap3A_60 = arith.index_cast %swap3A_59 : i32 to index
      %swap3A_61 = arith.index_cast %mul3A_58 : i32 to index
      %swap3A_62 = tpu.vector_load %arg7[%swap3A_60, %swap3A_61] {strides = array<i32>} : memref<96x512xf32, #tpu.memory_space<vmem>>, vector<16xf32>,
      tpu.vector_store %arg7[%swap3A_60, %swap3A_61], %gather3A_56 {strides = array<i32>} : memref<96x512xf32, #tpu.memory_space<vmem>>, vector<16xf32>,
      %broadcast_in_dim3A_63 = arith.constant 6 : i32
      %broadcast_in_dim3A_64 = vector.broadcast %broadcast_in_dim3A_63 : i32 to vector<16xi32>
      %gather3A_65 = tpu.vector_load_idx %arg6[%broadcast_in_dim3A_64, %get3A_11] : memref<96x96xf32, #tpu.memory_space<vmem>>[vector<16xi32>, vector<16xi32>], vector<16xf32>,
      %mul3A_66 = arith.constant 16 : i32
      %mul3A_67 = arith.muli %scan3A_8, %mul3A_66 : i32
      %swap3A_68 = arith.constant 6 : i32
      %swap3A_69 = arith.index_cast %swap3A_68 : i32 to index
      %swap3A_70 = arith.index_cast %mul3A_67 : i32 to index
      %swap3A_71 = tpu.vector_load %arg7[%swap3A_69, %swap3A_70] {strides = array<i32>} : memref<96x512xf32, #tpu.memory_space<vmem>>, vector<16xf32>,
      tpu.vector_store %arg7[%swap3A_69, %swap3A_70], %gather3A_65 {strides = array<i32>} : memref<96x512xf32, #tpu.memory_space<vmem>>, vector<16xf32>,
      %broadcast_in_dim3A_72 = arith.constant 7 : i32
      %broadcast_in_dim3A_73 = vector.broadcast %broadcast_in_dim3A_72 : i32 to vector<16xi32>
      %gather3A_74 = tpu.vector_load_idx %arg6[%broadcast_in_dim3A_73, %get3A_11] : memref<96x96xf32, #tpu.memory_space<vmem>>[vector<16xi32>, vector<16xi32>], vector<16xf32>,
      %mul3A_75 = arith.constant 16 : i32
      %mul3A_76 = arith.muli %scan3A_8, %mul3A_75 : i32
      %swap3A_77 = arith.constant 7 : i32
      %swap3A_78 = arith.index_cast %swap3A_77 : i32 to index
      %swap3A_79 = arith.index_cast %mul3A_76 : i32 to index
      %swap3A_80 = tpu.vector_load %arg7[%swap3A_78, %swap3A_79] {strides = array<i32>} : memref<96x512xf32, #tpu.memory_space<vmem>>, vector<16xf32>,
      tpu.vector_store %arg7[%swap3A_78, %swap3A_79], %gather3A_74 {strides = array<i32>} : memref<96x512xf32, #tpu.memory_space<vmem>>, vector<16xf32>,
      %broadcast_in_dim3A_81 = arith.constant 8 : i32
      %broadcast_in_dim3A_82 = vector.broadcast %broadcast_in_dim3A_81 : i32 to vector<16xi32>
      %gather3A_83 = tpu.vector_load_idx %arg6[%broadcast_in_dim3A_82, %get3A_11] : memref<96x96xf32, #tpu.memory_space<vmem>>[vector<16xi32>, vector<16xi32>], vector<16xf32>,
      %mul3A_84 = arith.constant 16 : i32
      %mul3A_85 = arith.muli %scan3A_8, %mul3A_84 : i32
      %swap3A_86 = arith.constant 8 : i32
      %swap3A_87 = arith.index_cast %swap3A_86 : i32 to index
      %swap3A_88 = arith.index_cast %mul3A_85 : i32 to index
      %swap3A_89 = tpu.vector_load %arg7[%swap3A_87, %swap3A_88] {strides = array<i32>} : memref<96x512xf32, #tpu.memory_space<vmem>>, vector<16xf32>,
      tpu.vector_store %arg7[%swap3A_87, %swap3A_88], %gather3A_83 {strides = array<i32>} : memref<96x512xf32, #tpu.memory_space<vmem>>, vector<16xf32>,
      %broadcast_in_dim3A_90 = arith.constant 9 : i32
      %broadcast_in_dim3A_91 = vector.broadcast %broadcast_in_dim3A_90 : i32 to vector<16xi32>
      %gather3A_92 = tpu.vector_load_idx %arg6[%broadcast_in_dim3A_91, %get3A_11] : memref<96x96xf32, #tpu.memory_space<vmem>>[vector<16xi32>, vector<16xi32>], vector<16xf32>,
      %mul3A_93 = arith.constant 16 : i32
      %mul3A_94 = arith.muli %scan3A_8, %mul3A_93 : i32
      %swap3A_95 = arith.constant 9 : i32
      %swap3A_96 = arith.index_cast %swap3A_95 : i32 to index
      %swap3A_97 = arith.index_cast %mul3A_94 : i32 to index
      %swap3A_98 = tpu.vector_load %arg7[%swap3A_96, %swap3A_97] {strides = array<i32>} : memref<96x512xf32, #tpu.memory_space<vmem>>, vector<16xf32>,
      tpu.vector_store %arg7[%swap3A_96, %swap3A_97], %gather3A_92 {strides = array<i32>} : memref<96x512xf32, #tpu.memory_space<vmem>>, vector<16xf32>,
      %broadcast_in_dim3A_99 = arith.constant 10 : i32
      %broadcast_in_dim3A_100 = vector.broadcast %broadcast_in_dim3A_99 : i32 to vector<16xi32>
      %gather3A_101 = tpu.vector_load_idx %arg6[%broadcast_in_dim3A_100, %get3A_11] : memref<96x96xf32, #tpu.memory_space<vmem>>[vector<16xi32>, vector<16xi32>], vector<16xf32>,
      %mul3A_102 = arith.constant 16 : i32
      %mul3A_103 = arith.muli %scan3A_8, %mul3A_102 : i32
      %swap3A_104 = arith.constant 10 : i32
      %swap3A_105 = arith.index_cast %swap3A_104 : i32 to index
      %swap3A_106 = arith.index_cast %mul3A_103 : i32 to index
      %swap3A_107 = tpu.vector_load %arg7[%swap3A_105, %swap3A_106] {strides = array<i32>} : memref<96x512xf32, #tpu.memory_space<vmem>>, vector<16xf32>,
      tpu.vector_store %arg7[%swap3A_105, %swap3A_106], %gather3A_101 {strides = array<i32>} : memref<96x512xf32, #tpu.memory_space<vmem>>, vector<16xf32>,
      %broadcast_in_dim3A_108 = arith.constant 11 : i32
      %broadcast_in_dim3A_109 = vector.broadcast %broadcast_in_dim3A_108 : i32 to vector<16xi32>
      %gather3A_110 = tpu.vector_load_idx %arg6[%broadcast_in_dim3A_109, %get3A_11] : memref<96x96xf32, #tpu.memory_space<vmem>>[vector<16xi32>, vector<16xi32>], vector<16xf32>,
      %mul3A_111 = arith.constant 16 : i32
      %mul3A_112 = arith.muli %scan3A_8, %mul3A_111 : i32
      %swap3A_113 = arith.constant 11 : i32
      %swap3A_114 = arith.index_cast %swap3A_113 : i32 to index
      %swap3A_115 = arith.index_cast %mul3A_112 : i32 to index
      %swap3A_116 = tpu.vector_load %arg7[%swap3A_114, %swap3A_115] {strides = array<i32>} : memref<96x512xf32, #tpu.memory_space<vmem>>, vector<16xf32>,
      tpu.vector_store %arg7[%swap3A_114, %swap3A_115], %gather3A_110 {strides = array<i32>} : memref<96x512xf32, #tpu.memory_space<vmem>>, vector<16xf32>,
      %broadcast_in_dim3A_117 = arith.constant 12 : i32
      %broadcast_in_dim3A_118 = vector.broadcast %broadcast_in_dim3A_117 : i32 to vector<16xi32>
      %gather3A_119 = tpu.vector_load_idx %arg6[%broadcast_in_dim3A_118, %get3A_11] : memref<96x96xf32, #tpu.memory_space<vmem>>[vector<16xi32>, vector<16xi32>], vector<16xf32>,
      %mul3A_120 = arith.constant 16 : i32
      %mul3A_121 = arith.muli %scan3A_8, %mul3A_120 : i32
      %swap3A_122 = arith.constant 12 : i32
      %swap3A_123 = arith.index_cast %swap3A_122 : i32 to index
      %swap3A_124 = arith.index_cast %mul3A_121 : i32 to index
      %swap3A_125 = tpu.vector_load %arg7[%swap3A_123, %swap3A_124] {strides = array<i32>} : memref<96x512xf32, #tpu.memory_space<vmem>>, vector<16xf32>,
      tpu.vector_store %arg7[%swap3A_123, %swap3A_124], %gather3A_119 {strides = array<i32>} : memref<96x512xf32, #tpu.memory_space<vmem>>, vector<16xf32>,
      %broadcast_in_dim3A_126 = arith.constant 13 : i32
      %broadcast_in_dim3A_127 = vector.broadcast %broadcast_in_dim3A_126 : i32 to vector<16xi32>
      %gather3A_128 = tpu.vector_load_idx %arg6[%broadcast_in_dim3A_127, %get3A_11] : memref<96x96xf32, #tpu.memory_space<vmem>>[vector<16xi32>, vector<16xi32>], vector<16xf32>,
      %mul3A_129 = arith.constant 16 : i32
      %mul3A_130 = arith.muli %scan3A_8, %mul3A_129 : i32
      %swap3A_131 = arith.constant 13 : i32
      %swap3A_132 = arith.index_cast %swap3A_131 : i32 to index
      %swap3A_133 = arith.index_cast %mul3A_130 : i32 to index
      %swap3A_134 = tpu.vector_load %arg7[%swap3A_132, %swap3A_133] {strides = array<i32>} : memref<96x512xf32, #tpu.memory_space<vmem>>, vector<16xf32>,
      tpu.vector_store %arg7[%swap3A_132, %swap3A_133], %gather3A_128 {strides = array<i32>} : memref<96x512xf32, #tpu.memory_space<vmem>>, vector<16xf32>,
      %broadcast_in_dim3A_135 = arith.constant 14 : i32
      %broadcast_in_dim3A_136 = vector.broadcast %broadcast_in_dim3A_135 : i32 to vector<16xi32>
      %gather3A_137 = tpu.vector_load_idx %arg6[%broadcast_in_dim3A_136, %get3A_11] : memref<96x96xf32, #tpu.memory_space<vmem>>[vector<16xi32>, vector<16xi32>], vector<16xf32>,
      %mul3A_138 = arith.constant 16 : i32
      %mul3A_139 = arith.muli %scan3A_8, %mul3A_138 : i32
      %swap3A_140 = arith.constant 14 : i32
      %swap3A_141 = arith.index_cast %swap3A_140 : i32 to index
      %swap3A_142 = arith.index_cast %mul3A_139 : i32 to index
      %swap3A_143 = tpu.vector_load %arg7[%swap3A_141, %swap3A_142] {strides = array<i32>} : memref<96x512xf32, #tpu.memory_space<vmem>>, vector<16xf32>,
      tpu.vector_store %arg7[%swap3A_141, %swap3A_142], %gather3A_137 {strides = array<i32>} : memref<96x512xf32, #tpu.memory_space<vmem>>, vector<16xf32>,
      %broadcast_in_dim3A_144 = arith.constant 15 : i32
      %broadcast_in_dim3A_145 = vector.broadcast %broadcast_in_dim3A_144 : i32 to vector<16xi32>
      %gather3A_146 = tpu.vector_load_idx %arg6[%broadcast_in_dim3A_145, %get3A_11] : memref<96x96xf32, #tpu.memory_space<vmem>>[vector<16xi32>, vector<16xi32>], vector<16xf32>,
      %mul3A_147 = arith.constant 16 : i32
      %mul3A_148 = arith.muli %scan3A_8, %mul3A_147 : i32
      %swap3A_149 = arith.constant 15 : i32
      %swap3A_150 = arith.index_cast %swap3A_149 : i32 to index
      %swap3A_151 = arith.index_cast %mul3A_148 : i32 to index
      %swap3A_152 = tpu.vector_load %arg7[%swap3A_150, %swap3A_151] {strides = array<i32>} : memref<96x512xf32, #tpu.memory_space<vmem>>, vector<16xf32>,
      tpu.vector_store %arg7[%swap3A_150, %swap3A_151], %gather3A_146 {strides = array<i32>} : memref<96x512xf32, #tpu.memory_space<vmem>>, vector<16xf32>,
      %broadcast_in_dim3A_153 = arith.constant 16 : i32
      %broadcast_in_dim3A_154 = vector.broadcast %broadcast_in_dim3A_153 : i32 to vector<16xi32>
      %gather3A_155 = tpu.vector_load_idx %arg6[%broadcast_in_dim3A_154, %get3A_11] : memref<96x96xf32, #tpu.memory_space<vmem>>[vector<16xi32>, vector<16xi32>], vector<16xf32>,
      %mul3A_156 = arith.constant 16 : i32
      %mul3A_157 = arith.muli %scan3A_8, %mul3A_156 : i32
      %swap3A_158 = arith.constant 16 : i32
      %swap3A_159 = arith.index_cast %swap3A_158 : i32 to index
      %swap3A_160 = arith.index_cast %mul3A_157 : i32 to index
      %swap3A_161 = tpu.vector_load %arg7[%swap3A_159, %swap3A_160] {strides = array<i32>} : memref<96x512xf32, #tpu.memory_space<vmem>>, vector<16xf32>,
      tpu.vector_store %arg7[%swap3A_159, %swap3A_160], %gather3A_155 {strides = array<i32>} : memref<96x512xf32, #tpu.memory_space<vmem>>, vector<16xf32>,
      %broadcast_in_dim3A_162 = arith.constant 17 : i32
      %broadcast_in_dim3A_163 = vector.broadcast %broadcast_in_dim3A_162 : i32 to vector<16xi32>
      %gather3A_164 = tpu.vector_load_idx %arg6[%broadcast_in_dim3A_163, %get3A_11] : memref<96x96xf32, #tpu.memory_space<vmem>>[vector<16xi32>, vector<16xi32>], vector<16xf32>,
      %mul3A_165 = arith.constant 16 : i32
      %mul3A_166 = arith.muli %scan3A_8, %mul3A_165 : i32
      %swap3A_167 = arith.constant 17 : i32
      %swap3A_168 = arith.index_cast %swap3A_167 : i32 to index
      %swap3A_169 = arith.index_cast %mul3A_166 : i32 to index
      %swap3A_170 = tpu.vector_load %arg7[%swap3A_168, %swap3A_169] {strides = array<i32>} : memref<96x512xf32, #tpu.memory_space<vmem>>, vector<16xf32>,
      tpu.vector_store %arg7[%swap3A_168, %swap3A_169], %gather3A_164 {strides = array<i32>} : memref<96x512xf32, #tpu.memory_space<vmem>>, vector<16xf32>,
      %broadcast_in_dim3A_171 = arith.constant 18 : i32
      %broadcast_in_dim3A_172 = vector.broadcast %broadcast_in_dim3A_171 : i32 to vector<16xi32>
      %gather3A_173 = tpu.vector_load_idx %arg6[%broadcast_in_dim3A_172, %get3A_11] : memref<96x96xf32, #tpu.memory_space<vmem>>[vector<16xi32>, vector<16xi32>], vector<16xf32>,
      %mul3A_174 = arith.constant 16 : i32
      %mul3A_175 = arith.muli %scan3A_8, %mul3A_174 : i32
      %swap3A_176 = arith.constant 18 : i32
      %swap3A_177 = arith.index_cast %swap3A_176 : i32 to index
      %swap3A_178 = arith.index_cast %mul3A_175 : i32 to index
      %swap3A_179 = tpu.vector_load %arg7[%swap3A_177, %swap3A_178] {strides = array<i32>} : memref<96x512xf32, #tpu.memory_space<vmem>>, vector<16xf32>,
      tpu.vector_store %arg7[%swap3A_177, %swap3A_178], %gather3A_173 {strides = array<i32>} : memref<96x512xf32, #tpu.memory_space<vmem>>, vector<16xf32>,
      %broadcast_in_dim3A_180 = arith.constant 19 : i32
      %broadcast_in_dim3A_181 = vector.broadcast %broadcast_in_dim3A_180 : i32 to vector<16xi32>
      %gather3A_182 = tpu.vector_load_idx %arg6[%broadcast_in_dim3A_181, %get3A_11] : memref<96x96xf32, #tpu.memory_space<vmem>>[vector<16xi32>, vector<16xi32>], vector<16xf32>,
      %mul3A_183 = arith.constant 16 : i32
      %mul3A_184 = arith.muli %scan3A_8, %mul3A_183 : i32
      %swap3A_185 = arith.constant 19 : i32
      %swap3A_186 = arith.index_cast %swap3A_185 : i32 to index
      %swap3A_187 = arith.index_cast %mul3A_184 : i32 to index
      %swap3A_188 = tpu.vector_load %arg7[%swap3A_186, %swap3A_187] {strides = array<i32>} : memref<96x512xf32, #tpu.memory_space<vmem>>, vector<16xf32>,
      tpu.vector_store %arg7[%swap3A_186, %swap3A_187], %gather3A_182 {strides = array<i32>} : memref<96x512xf32, #tpu.memory_space<vmem>>, vector<16xf32>,
      %broadcast_in_dim3A_189 = arith.constant 20 : i32
      %broadcast_in_dim3A_190 = vector.broadcast %broadcast_in_dim3A_189 : i32 to vector<16xi32>
      %gather3A_191 = tpu.vector_load_idx %arg6[%broadcast_in_dim3A_190, %get3A_11] : memref<96x96xf32, #tpu.memory_space<vmem>>[vector<16xi32>, vector<16xi32>], vector<16xf32>,
      %mul3A_192 = arith.constant 16 : i32
      %mul3A_193 = arith.muli %scan3A_8, %mul3A_192 : i32
      %swap3A_194 = arith.constant 20 : i32
      %swap3A_195 = arith.index_cast %swap3A_194 : i32 to index
      %swap3A_196 = arith.index_cast %mul3A_193 : i32 to index
      %swap3A_197 = tpu.vector_load %arg7[%swap3A_195, %swap3A_196] {strides = array<i32>} : memref<96x512xf32, #tpu.memory_space<vmem>>, vector<16xf32>,
      tpu.vector_store %arg7[%swap3A_195, %swap3A_196], %gather3A_191 {strides = array<i32>} : memref<96x512xf32, #tpu.memory_space<vmem>>, vector<16xf32>,
      %broadcast_in_dim3A_198 = arith.constant 21 : i32
      %broadcast_in_dim3A_199 = vector.broadcast %broadcast_in_dim3A_198 : i32 to vector<16xi32>
      %gather3A_200 = tpu.vector_load_idx %arg6[%broadcast_in_dim3A_199, %get3A_11] : memref<96x96xf32, #tpu.memory_space<vmem>>[vector<16xi32>, vector<16xi32>], vector<16xf32>,
      %mul3A_201 = arith.constant 16 : i32
      %mul3A_202 = arith.muli %scan3A_8, %mul3A_201 : i32
      %swap3A_203 = arith.constant 21 : i32
      %swap3A_204 = arith.index_cast %swap3A_203 : i32 to index
      %swap3A_205 = arith.index_cast %mul3A_202 : i32 to index
      %swap3A_206 = tpu.vector_load %arg7[%swap3A_204, %swap3A_205] {strides = array<i32>} : memref<96x512xf32, #tpu.memory_space<vmem>>, vector<16xf32>,
      tpu.vector_store %arg7[%swap3A_204, %swap3A_205], %gather3A_200 {strides = array<i32>} : memref<96x512xf32, #tpu.memory_space<vmem>>, vector<16xf32>,
      %broadcast_in_dim3A_207 = arith.constant 22 : i32
      %broadcast_in_dim3A_208 = vector.broadcast %broadcast_in_dim3A_207 : i32 to vector<16xi32>
      %gather3A_209 = tpu.vector_load_idx %arg6[%broadcast_in_dim3A_208, %get3A_11] : memref<96x96xf32, #tpu.memory_space<vmem>>[vector<16xi32>, vector<16xi32>], vector<16xf32>,
      %mul3A_210 = arith.constant 16 : i32
      %mul3A_211 = arith.muli %scan3A_8, %mul3A_210 : i32
      %swap3A_212 = arith.constant 22 : i32
      %swap3A_213 = arith.index_cast %swap3A_212 : i32 to index
      %swap3A_214 = arith.index_cast %mul3A_211 : i32 to index
      %swap3A_215 = tpu.vector_load %arg7[%swap3A_213, %swap3A_214] {strides = array<i32>} : memref<96x512xf32, #tpu.memory_space<vmem>>, vector<16xf32>,
      tpu.vector_store %arg7[%swap3A_213, %swap3A_214], %gather3A_209 {strides = array<i32>} : memref<96x512xf32, #tpu.memory_space<vmem>>, vector<16xf32>,
      %broadcast_in_dim3A_216 = arith.constant 23 : i32
      %broadcast_in_dim3A_217 = vector.broadcast %broadcast_in_dim3A_216 : i32 to vector<16xi32>
      %gather3A_218 = tpu.vector_load_idx %arg6[%broadcast_in_dim3A_217, %get3A_11] : memref<96x96xf32, #tpu.memory_space<vmem>>[vector<16xi32>, vector<16xi32>], vector<16xf32>,
      %mul3A_219 = arith.constant 16 : i32
      %mul3A_220 = arith.muli %scan3A_8, %mul3A_219 : i32
      %swap3A_221 = arith.constant 23 : i32
      %swap3A_222 = arith.index_cast %swap3A_221 : i32 to index
      %swap3A_223 = arith.index_cast %mul3A_220 : i32 to index
      %swap3A_224 = tpu.vector_load %arg7[%swap3A_222, %swap3A_223] {strides = array<i32>} : memref<96x512xf32, #tpu.memory_space<vmem>>, vector<16xf32>,
      tpu.vector_store %arg7[%swap3A_222, %swap3A_223], %gather3A_218 {strides = array<i32>} : memref<96x512xf32, #tpu.memory_space<vmem>>, vector<16xf32>,
      %broadcast_in_dim3A_225 = arith.constant 24 : i32
      %broadcast_in_dim3A_226 = vector.broadcast %broadcast_in_dim3A_225 : i32 to vector<16xi32>
      %gather3A_227 = tpu.vector_load_idx %arg6[%broadcast_in_dim3A_226, %get3A_11] : memref<96x96xf32, #tpu.memory_space<vmem>>[vector<16xi32>, vector<16xi32>], vector<16xf32>,
      %mul3A_228 = arith.constant 16 : i32
      %mul3A_229 = arith.muli %scan3A_8, %mul3A_228 : i32
      %swap3A_230 = arith.constant 24 : i32
      %swap3A_231 = arith.index_cast %swap3A_230 : i32 to index
      %swap3A_232 = arith.index_cast %mul3A_229 : i32 to index
      %swap3A_233 = tpu.vector_load %arg7[%swap3A_231, %swap3A_232] {strides = array<i32>} : memref<96x512xf32, #tpu.memory_space<vmem>>, vector<16xf32>,
      tpu.vector_store %arg7[%swap3A_231, %swap3A_232], %gather3A_227 {strides = array<i32>} : memref<96x512xf32, #tpu.memory_space<vmem>>, vector<16xf32>,
      %broadcast_in_dim3A_234 = arith.constant 25 : i32
      %broadcast_in_dim3A_235 = vector.broadcast %broadcast_in_dim3A_234 : i32 to vector<16xi32>
      %gather3A_236 = tpu.vector_load_idx %arg6[%broadcast_in_dim3A_235, %get3A_11] : memref<96x96xf32, #tpu.memory_space<vmem>>[vector<16xi32>, vector<16xi32>], vector<16xf32>,
      %mul3A_237 = arith.constant 16 : i32
      %mul3A_238 = arith.muli %scan3A_8, %mul3A_237 : i32
      %swap3A_239 = arith.constant 25 : i32
      %swap3A_240 = arith.index_cast %swap3A_239 : i32 to index
      %swap3A_241 = arith.index_cast %mul3A_238 : i32 to index
      %swap3A_242 = tpu.vector_load %arg7[%swap3A_240, %swap3A_241] {strides = array<i32>} : memref<96x512xf32, #tpu.memory_space<vmem>>, vector<16xf32>,
      tpu.vector_store %arg7[%swap3A_240, %swap3A_241], %gather3A_236 {strides = array<i32>} : memref<96x512xf32, #tpu.memory_space<vmem>>, vector<16xf32>,
      %broadcast_in_dim3A_243 = arith.constant 26 : i32
      %broadcast_in_dim3A_244 = vector.broadcast %broadcast_in_dim3A_243 : i32 to vector<16xi32>
      %gather3A_245 = tpu.vector_load_idx %arg6[%broadcast_in_dim3A_244, %get3A_11] : memref<96x96xf32, #tpu.memory_space<vmem>>[vector<16xi32>, vector<16xi32>], vector<16xf32>,
      %mul3A_246 = arith.constant 16 : i32
      %mul3A_247 = arith.muli %scan3A_8, %mul3A_246 : i32
      %swap3A_248 = arith.constant 26 : i32
      %swap3A_249 = arith.index_cast %swap3A_248 : i32 to index
      %swap3A_250 = arith.index_cast %mul3A_247 : i32 to index
      %swap3A_251 = tpu.vector_load %arg7[%swap3A_249, %swap3A_250] {strides = array<i32>} : memref<96x512xf32, #tpu.memory_space<vmem>>, vector<16xf32>,
      tpu.vector_store %arg7[%swap3A_249, %swap3A_250], %gather3A_245 {strides = array<i32>} : memref<96x512xf32, #tpu.memory_space<vmem>>, vector<16xf32>,
      %broadcast_in_dim3A_252 = arith.constant 27 : i32
      %broadcast_in_dim3A_253 = vector.broadcast %broadcast_in_dim3A_252 : i32 to vector<16xi32>
      %gather3A_254 = tpu.vector_load_idx %arg6[%broadcast_in_dim3A_253, %get3A_11] : memref<96x96xf32, #tpu.memory_space<vmem>>[vector<16xi32>, vector<16xi32>], vector<16xf32>,
      %mul3A_255 = arith.constant 16 : i32
      %mul3A_256 = arith.muli %scan3A_8, %mul3A_255 : i32
      %swap3A_257 = arith.constant 27 : i32
      %swap3A_258 = arith.index_cast %swap3A_257 : i32 to index
      %swap3A_259 = arith.index_cast %mul3A_256 : i32 to index
      %swap3A_260 = tpu.vector_load %arg7[%swap3A_258, %swap3A_259] {strides = array<i32>} : memref<96x512xf32, #tpu.memory_space<vmem>>, vector<16xf32>,
      tpu.vector_store %arg7[%swap3A_258, %swap3A_259], %gather3A_254 {strides = array<i32>} : memref<96x512xf32, #tpu.memory_space<vmem>>, vector<16xf32>,
      %broadcast_in_dim3A_261 = arith.constant 28 : i32
      %broadcast_in_dim3A_262 = vector.broadcast %broadcast_in_dim3A_261 : i32 to vector<16xi32>
      %gather3A_263 = tpu.vector_load_idx %arg6[%broadcast_in_dim3A_262, %get3A_11] : memref<96x96xf32, #tpu.memory_space<vmem>>[vector<16xi32>, vector<16xi32>], vector<16xf32>,
      %mul3A_264 = arith.constant 16 : i32
      %mul3A_265 = arith.muli %scan3A_8, %mul3A_264 : i32
      %swap3A_266 = arith.constant 28 : i32
      %swap3A_267 = arith.index_cast %swap3A_266 : i32 to index
      %swap3A_268 = arith.index_cast %mul3A_265 : i32 to index
      %swap3A_269 = tpu.vector_load %arg7[%swap3A_267, %swap3A_268] {strides = array<i32>} : memref<96x512xf32, #tpu.memory_space<vmem>>, vector<16xf32>,
      tpu.vector_store %arg7[%swap3A_267, %swap3A_268], %gather3A_263 {strides = array<i32>} : memref<96x512xf32, #tpu.memory_space<vmem>>, vector<16xf32>,
      %broadcast_in_dim3A_270 = arith.constant 29 : i32
      %broadcast_in_dim3A_271 = vector.broadcast %broadcast_in_dim3A_270 : i32 to vector<16xi32>
      %gather3A_272 = tpu.vector_load_idx %arg6[%broadcast_in_dim3A_271, %get3A_11] : memref<96x96xf32, #tpu.memory_space<vmem>>[vector<16xi32>, vector<16xi32>], vector<16xf32>,
      %mul3A_273 = arith.constant 16 : i32
      %mul3A_274 = arith.muli %scan3A_8, %mul3A_273 : i32
      %swap3A_275 = arith.constant 29 : i32
      %swap3A_276 = arith.index_cast %swap3A_275 : i32 to index
      %swap3A_277 = arith.index_cast %mul3A_274 : i32 to index
      %swap3A_278 = tpu.vector_load %arg7[%swap3A_276, %swap3A_277] {strides = array<i32>} : memref<96x512xf32, #tpu.memory_space<vmem>>, vector<16xf32>,
      tpu.vector_store %arg7[%swap3A_276, %swap3A_277], %gather3A_272 {strides = array<i32>} : memref<96x512xf32, #tpu.memory_space<vmem>>, vector<16xf32>,
      %broadcast_in_dim3A_279 = arith.constant 30 : i32
      %broadcast_in_dim3A_280 = vector.broadcast %broadcast_in_dim3A_279 : i32 to vector<16xi32>
      %gather3A_281 = tpu.vector_load_idx %arg6[%broadcast_in_dim3A_280, %get3A_11] : memref<96x96xf32, #tpu.memory_space<vmem>>[vector<16xi32>, vector<16xi32>], vector<16xf32>,
      %mul3A_282 = arith.constant 16 : i32
      %mul3A_283 = arith.muli %scan3A_8, %mul3A_282 : i32
      %swap3A_284 = arith.constant 30 : i32
      %swap3A_285 = arith.index_cast %swap3A_284 : i32 to index
      %swap3A_286 = arith.index_cast %mul3A_283 : i32 to index
      %swap3A_287 = tpu.vector_load %arg7[%swap3A_285, %swap3A_286] {strides = array<i32>} : memref<96x512xf32, #tpu.memory_space<vmem>>, vector<16xf32>,
      tpu.vector_store %arg7[%swap3A_285, %swap3A_286], %gather3A_281 {strides = array<i32>} : memref<96x512xf32, #tpu.memory_space<vmem>>, vector<16xf32>,
      %broadcast_in_dim3A_288 = arith.constant 31 : i32
      %broadcast_in_dim3A_289 = vector.broadcast %broadcast_in_dim3A_288 : i32 to vector<16xi32>
      %gather3A_290 = tpu.vector_load_idx %arg6[%broadcast_in_dim3A_289, %get3A_11] : memref<96x96xf32, #tpu.memory_space<vmem>>[vector<16xi32>, vector<16xi32>], vector<16xf32>,
      %mul3A_291 = arith.constant 16 : i32
      %mul3A_292 = arith.muli %scan3A_8, %mul3A_291 : i32
      %swap3A_293 = arith.constant 31 : i32
      %swap3A_294 = arith.index_cast %swap3A_293 : i32 to index
      %swap3A_295 = arith.index_cast %mul3A_292 : i32 to index
      %swap3A_296 = tpu.vector_load %arg7[%swap3A_294, %swap3A_295] {strides = array<i32>} : memref<96x512xf32, #tpu.memory_space<vmem>>, vector<16xf32>,
      tpu.vector_store %arg7[%swap3A_294, %swap3A_295], %gather3A_290 {strides = array<i32>} : memref<96x512xf32, #tpu.memory_space<vmem>>, vector<16xf32>,
      %broadcast_in_dim3A_297 = arith.constant 32 : i32
      %broadcast_in_dim3A_298 = vector.broadcast %broadcast_in_dim3A_297 : i32 to vector<16xi32>
      %gather3A_299 = tpu.vector_load_idx %arg6[%broadcast_in_dim3A_298, %get3A_11] : memref<96x96xf32, #tpu.memory_space<vmem>>[vector<16xi32>, vector<16xi32>], vector<16xf32>,
      %mul3A_300 = arith.constant 16 : i32
      %mul3A_301 = arith.muli %scan3A_8, %mul3A_300 : i32
      %swap3A_302 = arith.constant 32 : i32
      %swap3A_303 = arith.index_cast %swap3A_302 : i32 to index
      %swap3A_304 = arith.index_cast %mul3A_301 : i32 to index
      %swap3A_305 = tpu.vector_load %arg7[%swap3A_303, %swap3A_304] {strides = array<i32>} : memref<96x512xf32, #tpu.memory_space<vmem>>, vector<16xf32>,
      tpu.vector_store %arg7[%swap3A_303, %swap3A_304], %gather3A_299 {strides = array<i32>} : memref<96x512xf32, #tpu.memory_space<vmem>>, vector<16xf32>,
      %broadcast_in_dim3A_306 = arith.constant 33 : i32
      %broadcast_in_dim3A_307 = vector.broadcast %broadcast_in_dim3A_306 : i32 to vector<16xi32>
      %gather3A_308 = tpu.vector_load_idx %arg6[%broadcast_in_dim3A_307, %get3A_11] : memref<96x96xf32, #tpu.memory_space<vmem>>[vector<16xi32>, vector<16xi32>], vector<16xf32>,
      %mul3A_309 = arith.constant 16 : i32
      %mul3A_310 = arith.muli %scan3A_8, %mul3A_309 : i32
      %swap3A_311 = arith.constant 33 : i32
      %swap3A_312 = arith.index_cast %swap3A_311 : i32 to index
      %swap3A_313 = arith.index_cast %mul3A_310 : i32 to index
      %swap3A_314 = tpu.vector_load %arg7[%swap3A_312, %swap3A_313] {strides = array<i32>} : memref<96x512xf32, #tpu.memory_space<vmem>>, vector<16xf32>,
      tpu.vector_store %arg7[%swap3A_312, %swap3A_313], %gather3A_308 {strides = array<i32>} : memref<96x512xf32, #tpu.memory_space<vmem>>, vector<16xf32>,
      %broadcast_in_dim3A_315 = arith.constant 34 : i32
      %broadcast_in_dim3A_316 = vector.broadcast %broadcast_in_dim3A_315 : i32 to vector<16xi32>
      %gather3A_317 = tpu.vector_load_idx %arg6[%broadcast_in_dim3A_316, %get3A_11] : memref<96x96xf32, #tpu.memory_space<vmem>>[vector<16xi32>, vector<16xi32>], vector<16xf32>,
      %mul3A_318 = arith.constant 16 : i32
      %mul3A_319 = arith.muli %scan3A_8, %mul3A_318 : i32
      %swap3A_320 = arith.constant 34 : i32
      %swap3A_321 = arith.index_cast %swap3A_320 : i32 to index
      %swap3A_322 = arith.index_cast %mul3A_319 : i32 to index
      %swap3A_323 = tpu.vector_load %arg7[%swap3A_321, %swap3A_322] {strides = array<i32>} : memref<96x512xf32, #tpu.memory_space<vmem>>, vector<16xf32>,
      tpu.vector_store %arg7[%swap3A_321, %swap3A_322], %gather3A_317 {strides = array<i32>} : memref<96x512xf32, #tpu.memory_space<vmem>>, vector<16xf32>,
      %broadcast_in_dim3A_324 = arith.constant 35 : i32
      %broadcast_in_dim3A_325 = vector.broadcast %broadcast_in_dim3A_324 : i32 to vector<16xi32>
      %gather3A_326 = tpu.vector_load_idx %arg6[%broadcast_in_dim3A_325, %get3A_11] : memref<96x96xf32, #tpu.memory_space<vmem>>[vector<16xi32>, vector<16xi32>], vector<16xf32>,
      %mul3A_327 = arith.constant 16 : i32
      %mul3A_328 = arith.muli %scan3A_8, %mul3A_327 : i32
      %swap3A_329 = arith.constant 35 : i32
      %swap3A_330 = arith.index_cast %swap3A_329 : i32 to index
      %swap3A_331 = arith.index_cast %mul3A_328 : i32 to index
      %swap3A_332 = tpu.vector_load %arg7[%swap3A_330, %swap3A_331] {strides = array<i32>} : memref<96x512xf32, #tpu.memory_space<vmem>>, vector<16xf32>,
      tpu.vector_store %arg7[%swap3A_330, %swap3A_331], %gather3A_326 {strides = array<i32>} : memref<96x512xf32, #tpu.memory_space<vmem>>, vector<16xf32>,
      %broadcast_in_dim3A_333 = arith.constant 36 : i32
      %broadcast_in_dim3A_334 = vector.broadcast %broadcast_in_dim3A_333 : i32 to vector<16xi32>
      %gather3A_335 = tpu.vector_load_idx %arg6[%broadcast_in_dim3A_334, %get3A_11] : memref<96x96xf32, #tpu.memory_space<vmem>>[vector<16xi32>, vector<16xi32>], vector<16xf32>,
      %mul3A_336 = arith.constant 16 : i32
      %mul3A_337 = arith.muli %scan3A_8, %mul3A_336 : i32
      %swap3A_338 = arith.constant 36 : i32
      %swap3A_339 = arith.index_cast %swap3A_338 : i32 to index
      %swap3A_340 = arith.index_cast %mul3A_337 : i32 to index
      %swap3A_341 = tpu.vector_load %arg7[%swap3A_339, %swap3A_340] {strides = array<i32>} : memref<96x512xf32, #tpu.memory_space<vmem>>, vector<16xf32>,
      tpu.vector_store %arg7[%swap3A_339, %swap3A_340], %gather3A_335 {strides = array<i32>} : memref<96x512xf32, #tpu.memory_space<vmem>>, vector<16xf32>,
      %broadcast_in_dim3A_342 = arith.constant 37 : i32
      %broadcast_in_dim3A_343 = vector.broadcast %broadcast_in_dim3A_342 : i32 to vector<16xi32>
      %gather3A_344 = tpu.vector_load_idx %arg6[%broadcast_in_dim3A_343, %get3A_11] : memref<96x96xf32, #tpu.memory_space<vmem>>[vector<16xi32>, vector<16xi32>], vector<16xf32>,
      %mul3A_345 = arith.constant 16 : i32
      %mul3A_346 = arith.muli %scan3A_8, %mul3A_345 : i32
      %swap3A_347 = arith.constant 37 : i32
      %swap3A_348 = arith.index_cast %swap3A_347 : i32 to index
      %swap3A_349 = arith.index_cast %mul3A_346 : i32 to index
      %swap3A_350 = tpu.vector_load %arg7[%swap3A_348, %swap3A_349] {strides = array<i32>} : memref<96x512xf32, #tpu.memory_space<vmem>>, vector<16xf32>,
      tpu.vector_store %arg7[%swap3A_348, %swap3A_349], %gather3A_344 {strides = array<i32>} : memref<96x512xf32, #tpu.memory_space<vmem>>, vector<16xf32>,
      %broadcast_in_dim3A_351 = arith.constant 38 : i32
      %broadcast_in_dim3A_352 = vector.broadcast %broadcast_in_dim3A_351 : i32 to vector<16xi32>
      %gather3A_353 = tpu.vector_load_idx %arg6[%broadcast_in_dim3A_352, %get3A_11] : memref<96x96xf32, #tpu.memory_space<vmem>>[vector<16xi32>, vector<16xi32>], vector<16xf32>,
      %mul3A_354 = arith.constant 16 : i32
      %mul3A_355 = arith.muli %scan3A_8, %mul3A_354 : i32
      %swap3A_356 = arith.constant 38 : i32
      %swap3A_357 = arith.index_cast %swap3A_356 : i32 to index
      %swap3A_358 = arith.index_cast %mul3A_355 : i32 to index
      %swap3A_359 = tpu.vector_load %arg7[%swap3A_357, %swap3A_358] {strides = array<i32>} : memref<96x512xf32, #tpu.memory_space<vmem>>, vector<16xf32>,
      tpu.vector_store %arg7[%swap3A_357, %swap3A_358], %gather3A_353 {strides = array<i32>} : memref<96x512xf32, #tpu.memory_space<vmem>>, vector<16xf32>,
      %broadcast_in_dim3A_360 = arith.constant 39 : i32
      %broadcast_in_dim3A_361 = vector.broadcast %broadcast_in_dim3A_360 : i32 to vector<16xi32>
      %gather3A_362 = tpu.vector_load_idx %arg6[%broadcast_in_dim3A_361, %get3A_11] : memref<96x96xf32, #tpu.memory_space<vmem>>[vector<16xi32>, vector<16xi32>], vector<16xf32>,
      %mul3A_363 = arith.constant 16 : i32
      %mul3A_364 = arith.muli %scan3A_8, %mul3A_363 : i32
      %swap3A_365 = arith.constant 39 : i32
      %swap3A_366 = arith.index_cast %swap3A_365 : i32 to index
      %swap3A_367 = arith.index_cast %mul3A_364 : i32 to index
      %swap3A_368 = tpu.vector_load %arg7[%swap3A_366, %swap3A_367] {strides = array<i32>} : memref<96x512xf32, #tpu.memory_space<vmem>>, vector<16xf32>,
      tpu.vector_store %arg7[%swap3A_366, %swap3A_367], %gather3A_362 {strides = array<i32>} : memref<96x512xf32, #tpu.memory_space<vmem>>, vector<16xf32>,
      %broadcast_in_dim3A_369 = arith.constant 40 : i32
      %broadcast_in_dim3A_370 = vector.broadcast %broadcast_in_dim3A_369 : i32 to vector<16xi32>
      %gather3A_371 = tpu.vector_load_idx %arg6[%broadcast_in_dim3A_370, %get3A_11] : memref<96x96xf32, #tpu.memory_space<vmem>>[vector<16xi32>, vector<16xi32>], vector<16xf32>,
      %mul3A_372 = arith.constant 16 : i32
      %mul3A_373 = arith.muli %scan3A_8, %mul3A_372 : i32
      %swap3A_374 = arith.constant 40 : i32
      %swap3A_375 = arith.index_cast %swap3A_374 : i32 to index
      %swap3A_376 = arith.index_cast %mul3A_373 : i32 to index
      %swap3A_377 = tpu.vector_load %arg7[%swap3A_375, %swap3A_376] {strides = array<i32>} : memref<96x512xf32, #tpu.memory_space<vmem>>, vector<16xf32>,
      tpu.vector_store %arg7[%swap3A_375, %swap3A_376], %gather3A_371 {strides = array<i32>} : memref<96x512xf32, #tpu.memory_space<vmem>>, vector<16xf32>,
      %broadcast_in_dim3A_378 = arith.constant 41 : i32
      %broadcast_in_dim3A_379 = vector.broadcast %broadcast_in_dim3A_378 : i32 to vector<16xi32>
      %gather3A_380 = tpu.vector_load_idx %arg6[%broadcast_in_dim3A_379, %get3A_11] : memref<96x96xf32, #tpu.memory_space<vmem>>[vector<16xi32>, vector<16xi32>], vector<16xf32>,
      %mul3A_381 = arith.constant 16 : i32
      %mul3A_382 = arith.muli %scan3A_8, %mul3A_381 : i32
      %swap3A_383 = arith.constant 41 : i32
      %swap3A_384 = arith.index_cast %swap3A_383 : i32 to index
      %swap3A_385 = arith.index_cast %mul3A_382 : i32 to index
      %swap3A_386 = tpu.vector_load %arg7[%swap3A_384, %swap3A_385] {strides = array<i32>} : memref<96x512xf32, #tpu.memory_space<vmem>>, vector<16xf32>,
      tpu.vector_store %arg7[%swap3A_384, %swap3A_385], %gather3A_380 {strides = array<i32>} : memref<96x512xf32, #tpu.memory_space<vmem>>, vector<16xf32>,
      %broadcast_in_dim3A_387 = arith.constant 42 : i32
      %broadcast_in_dim3A_388 = vector.broadcast %broadcast_in_dim3A_387 : i32 to vector<16xi32>
      %gather3A_389 = tpu.vector_load_idx %arg6[%broadcast_in_dim3A_388, %get3A_11] : memref<96x96xf32, #tpu.memory_space<vmem>>[vector<16xi32>, vector<16xi32>], vector<16xf32>,
      %mul3A_390 = arith.constant 16 : i32
      %mul3A_391 = arith.muli %scan3A_8, %mul3A_390 : i32
      %swap3A_392 = arith.constant 42 : i32
      %swap3A_393 = arith.index_cast %swap3A_392 : i32 to index
      %swap3A_394 = arith.index_cast %mul3A_391 : i32 to index
      %swap3A_395 = tpu.vector_load %arg7[%swap3A_393, %swap3A_394] {strides = array<i32>} : memref<96x512xf32, #tpu.memory_space<vmem>>, vector<16xf32>,
      tpu.vector_store %arg7[%swap3A_393, %swap3A_394], %gather3A_389 {strides = array<i32>} : memref<96x512xf32, #tpu.memory_space<vmem>>, vector<16xf32>,
      %broadcast_in_dim3A_396 = arith.constant 43 : i32
      %broadcast_in_dim3A_397 = vector.broadcast %broadcast_in_dim3A_396 : i32 to vector<16xi32>
      %gather3A_398 = tpu.vector_load_idx %arg6[%broadcast_in_dim3A_397, %get3A_11] : memref<96x96xf32, #tpu.memory_space<vmem>>[vector<16xi32>, vector<16xi32>], vector<16xf32>,
      %mul3A_399 = arith.constant 16 : i32
      %mul3A_400 = arith.muli %scan3A_8, %mul3A_399 : i32
      %swap3A_401 = arith.constant 43 : i32
      %swap3A_402 = arith.index_cast %swap3A_401 : i32 to index
      %swap3A_403 = arith.index_cast %mul3A_400 : i32 to index
      %swap3A_404 = tpu.vector_load %arg7[%swap3A_402, %swap3A_403] {strides = array<i32>} : memref<96x512xf32, #tpu.memory_space<vmem>>, vector<16xf32>,
      tpu.vector_store %arg7[%swap3A_402, %swap3A_403], %gather3A_398 {strides = array<i32>} : memref<96x512xf32, #tpu.memory_space<vmem>>, vector<16xf32>,
      %broadcast_in_dim3A_405 = arith.constant 44 : i32
      %broadcast_in_dim3A_406 = vector.broadcast %broadcast_in_dim3A_405 : i32 to vector<16xi32>
      %gather3A_407 = tpu.vector_load_idx %arg6[%broadcast_in_dim3A_406, %get3A_11] : memref<96x96xf32, #tpu.memory_space<vmem>>[vector<16xi32>, vector<16xi32>], vector<16xf32>,
      %mul3A_408 = arith.constant 16 : i32
      %mul3A_409 = arith.muli %scan3A_8, %mul3A_408 : i32
      %swap3A_410 = arith.constant 44 : i32
      %swap3A_411 = arith.index_cast %swap3A_410 : i32 to index
      %swap3A_412 = arith.index_cast %mul3A_409 : i32 to index
      %swap3A_413 = tpu.vector_load %arg7[%swap3A_411, %swap3A_412] {strides = array<i32>} : memref<96x512xf32, #tpu.memory_space<vmem>>, vector<16xf32>,
      tpu.vector_store %arg7[%swap3A_411, %swap3A_412], %gather3A_407 {strides = array<i32>} : memref<96x512xf32, #tpu.memory_space<vmem>>, vector<16xf32>,
      %broadcast_in_dim3A_414 = arith.constant 45 : i32
      %broadcast_in_dim3A_415 = vector.broadcast %broadcast_in_dim3A_414 : i32 to vector<16xi32>
      %gather3A_416 = tpu.vector_load_idx %arg6[%broadcast_in_dim3A_415, %get3A_11] : memref<96x96xf32, #tpu.memory_space<vmem>>[vector<16xi32>, vector<16xi32>], vector<16xf32>,
      %mul3A_417 = arith.constant 16 : i32
      %mul3A_418 = arith.muli %scan3A_8, %mul3A_417 : i32
      %swap3A_419 = arith.constant 45 : i32
      %swap3A_420 = arith.index_cast %swap3A_419 : i32 to index
      %swap3A_421 = arith.index_cast %mul3A_418 : i32 to index
      %swap3A_422 = tpu.vector_load %arg7[%swap3A_420, %swap3A_421] {strides = array<i32>} : memref<96x512xf32, #tpu.memory_space<vmem>>, vector<16xf32>,
      tpu.vector_store %arg7[%swap3A_420, %swap3A_421], %gather3A_416 {strides = array<i32>} : memref<96x512xf32, #tpu.memory_space<vmem>>, vector<16xf32>,
      %broadcast_in_dim3A_423 = arith.constant 46 : i32
      %broadcast_in_dim3A_424 = vector.broadcast %broadcast_in_dim3A_423 : i32 to vector<16xi32>
      %gather3A_425 = tpu.vector_load_idx %arg6[%broadcast_in_dim3A_424, %get3A_11] : memref<96x96xf32, #tpu.memory_space<vmem>>[vector<16xi32>, vector<16xi32>], vector<16xf32>,
      %mul3A_426 = arith.constant 16 : i32
      %mul3A_427 = arith.muli %scan3A_8, %mul3A_426 : i32
      %swap3A_428 = arith.constant 46 : i32
      %swap3A_429 = arith.index_cast %swap3A_428 : i32 to index
      %swap3A_430 = arith.index_cast %mul3A_427 : i32 to index
      %swap3A_431 = tpu.vector_load %arg7[%swap3A_429, %swap3A_430] {strides = array<i32>} : memref<96x512xf32, #tpu.memory_space<vmem>>, vector<16xf32>,
      tpu.vector_store %arg7[%swap3A_429, %swap3A_430], %gather3A_425 {strides = array<i32>} : memref<96x512xf32, #tpu.memory_space<vmem>>, vector<16xf32>,
      %broadcast_in_dim3A_432 = arith.constant 47 : i32
      %broadcast_in_dim3A_433 = vector.broadcast %broadcast_in_dim3A_432 : i32 to vector<16xi32>
      %gather3A_434 = tpu.vector_load_idx %arg6[%broadcast_in_dim3A_433, %get3A_11] : memref<96x96xf32, #tpu.memory_space<vmem>>[vector<16xi32>, vector<16xi32>], vector<16xf32>,
      %mul3A_435 = arith.constant 16 : i32
      %mul3A_436 = arith.muli %scan3A_8, %mul3A_435 : i32
      %swap3A_437 = arith.constant 47 : i32
      %swap3A_438 = arith.index_cast %swap3A_437 : i32 to index
      %swap3A_439 = arith.index_cast %mul3A_436 : i32 to index
      %swap3A_440 = tpu.vector_load %arg7[%swap3A_438, %swap3A_439] {strides = array<i32>} : memref<96x512xf32, #tpu.memory_space<vmem>>, vector<16xf32>,
      tpu.vector_store %arg7[%swap3A_438, %swap3A_439], %gather3A_434 {strides = array<i32>} : memref<96x512xf32, #tpu.memory_space<vmem>>, vector<16xf32>,
      %broadcast_in_dim3A_441 = arith.constant 48 : i32
      %broadcast_in_dim3A_442 = vector.broadcast %broadcast_in_dim3A_441 : i32 to vector<16xi32>
      %gather3A_443 = tpu.vector_load_idx %arg6[%broadcast_in_dim3A_442, %get3A_11] : memref<96x96xf32, #tpu.memory_space<vmem>>[vector<16xi32>, vector<16xi32>], vector<16xf32>,
      %mul3A_444 = arith.constant 16 : i32
      %mul3A_445 = arith.muli %scan3A_8, %mul3A_444 : i32
      %swap3A_446 = arith.constant 48 : i32
      %swap3A_447 = arith.index_cast %swap3A_446 : i32 to index
      %swap3A_448 = arith.index_cast %mul3A_445 : i32 to index
      %swap3A_449 = tpu.vector_load %arg7[%swap3A_447, %swap3A_448] {strides = array<i32>} : memref<96x512xf32, #tpu.memory_space<vmem>>, vector<16xf32>,
      tpu.vector_store %arg7[%swap3A_447, %swap3A_448], %gather3A_443 {strides = array<i32>} : memref<96x512xf32, #tpu.memory_space<vmem>>, vector<16xf32>,
      %broadcast_in_dim3A_450 = arith.constant 49 : i32
      %broadcast_in_dim3A_451 = vector.broadcast %broadcast_in_dim3A_450 : i32 to vector<16xi32>
      %gather3A_452 = tpu.vector_load_idx %arg6[%broadcast_in_dim3A_451, %get3A_11] : memref<96x96xf32, #tpu.memory_space<vmem>>[vector<16xi32>, vector<16xi32>], vector<16xf32>,
      %mul3A_453 = arith.constant 16 : i32
      %mul3A_454 = arith.muli %scan3A_8, %mul3A_453 : i32
      %swap3A_455 = arith.constant 49 : i32
      %swap3A_456 = arith.index_cast %swap3A_455 : i32 to index
      %swap3A_457 = arith.index_cast %mul3A_454 : i32 to index
      %swap3A_458 = tpu.vector_load %arg7[%swap3A_456, %swap3A_457] {strides = array<i32>} : memref<96x512xf32, #tpu.memory_space<vmem>>, vector<16xf32>,
      tpu.vector_store %arg7[%swap3A_456, %swap3A_457], %gather3A_452 {strides = array<i32>} : memref<96x512xf32, #tpu.memory_space<vmem>>, vector<16xf32>,
      %broadcast_in_dim3A_459 = arith.constant 50 : i32
      %broadcast_in_dim3A_460 = vector.broadcast %broadcast_in_dim3A_459 : i32 to vector<16xi32>
      %gather3A_461 = tpu.vector_load_idx %arg6[%broadcast_in_dim3A_460, %get3A_11] : memref<96x96xf32, #tpu.memory_space<vmem>>[vector<16xi32>, vector<16xi32>], vector<16xf32>,
      %mul3A_462 = arith.constant 16 : i32
      %mul3A_463 = arith.muli %scan3A_8, %mul3A_462 : i32
      %swap3A_464 = arith.constant 50 : i32
      %swap3A_465 = arith.index_cast %swap3A_464 : i32 to index
      %swap3A_466 = arith.index_cast %mul3A_463 : i32 to index
      %swap3A_467 = tpu.vector_load %arg7[%swap3A_465, %swap3A_466] {strides = array<i32>} : memref<96x512xf32, #tpu.memory_space<vmem>>, vector<16xf32>,
      tpu.vector_store %arg7[%swap3A_465, %swap3A_466], %gather3A_461 {strides = array<i32>} : memref<96x512xf32, #tpu.memory_space<vmem>>, vector<16xf32>,
      %broadcast_in_dim3A_468 = arith.constant 51 : i32
      %broadcast_in_dim3A_469 = vector.broadcast %broadcast_in_dim3A_468 : i32 to vector<16xi32>
      %gather3A_470 = tpu.vector_load_idx %arg6[%broadcast_in_dim3A_469, %get3A_11] : memref<96x96xf32, #tpu.memory_space<vmem>>[vector<16xi32>, vector<16xi32>], vector<16xf32>,
      %mul3A_471 = arith.constant 16 : i32
      %mul3A_472 = arith.muli %scan3A_8, %mul3A_471 : i32
      %swap3A_473 = arith.constant 51 : i32
      %swap3A_474 = arith.index_cast %swap3A_473 : i32 to index
      %swap3A_475 = arith.index_cast %mul3A_472 : i32 to index
      %swap3A_476 = tpu.vector_load %arg7[%swap3A_474, %swap3A_475] {strides = array<i32>} : memref<96x512xf32, #tpu.memory_space<vmem>>, vector<16xf32>,
      tpu.vector_store %arg7[%swap3A_474, %swap3A_475], %gather3A_470 {strides = array<i32>} : memref<96x512xf32, #tpu.memory_space<vmem>>, vector<16xf32>,
      %broadcast_in_dim3A_477 = arith.constant 52 : i32
      %broadcast_in_dim3A_478 = vector.broadcast %broadcast_in_dim3A_477 : i32 to vector<16xi32>
      %gather3A_479 = tpu.vector_load_idx %arg6[%broadcast_in_dim3A_478, %get3A_11] : memref<96x96xf32, #tpu.memory_space<vmem>>[vector<16xi32>, vector<16xi32>], vector<16xf32>,
      %mul3A_480 = arith.constant 16 : i32
      %mul3A_481 = arith.muli %scan3A_8, %mul3A_480 : i32
      %swap3A_482 = arith.constant 52 : i32
      %swap3A_483 = arith.index_cast %swap3A_482 : i32 to index
      %swap3A_484 = arith.index_cast %mul3A_481 : i32 to index
      %swap3A_485 = tpu.vector_load %arg7[%swap3A_483, %swap3A_484] {strides = array<i32>} : memref<96x512xf32, #tpu.memory_space<vmem>>, vector<16xf32>,
      tpu.vector_store %arg7[%swap3A_483, %swap3A_484], %gather3A_479 {strides = array<i32>} : memref<96x512xf32, #tpu.memory_space<vmem>>, vector<16xf32>,
      %broadcast_in_dim3A_486 = arith.constant 53 : i32
      %broadcast_in_dim3A_487 = vector.broadcast %broadcast_in_dim3A_486 : i32 to vector<16xi32>
      %gather3A_488 = tpu.vector_load_idx %arg6[%broadcast_in_dim3A_487, %get3A_11] : memref<96x96xf32, #tpu.memory_space<vmem>>[vector<16xi32>, vector<16xi32>], vector<16xf32>,
      %mul3A_489 = arith.constant 16 : i32
      %mul3A_490 = arith.muli %scan3A_8, %mul3A_489 : i32
      %swap3A_491 = arith.constant 53 : i32
      %swap3A_492 = arith.index_cast %swap3A_491 : i32 to index
      %swap3A_493 = arith.index_cast %mul3A_490 : i32 to index
      %swap3A_494 = tpu.vector_load %arg7[%swap3A_492, %swap3A_493] {strides = array<i32>} : memref<96x512xf32, #tpu.memory_space<vmem>>, vector<16xf32>,
      tpu.vector_store %arg7[%swap3A_492, %swap3A_493], %gather3A_488 {strides = array<i32>} : memref<96x512xf32, #tpu.memory_space<vmem>>, vector<16xf32>,
      %broadcast_in_dim3A_495 = arith.constant 54 : i32
      %broadcast_in_dim3A_496 = vector.broadcast %broadcast_in_dim3A_495 : i32 to vector<16xi32>
      %gather3A_497 = tpu.vector_load_idx %arg6[%broadcast_in_dim3A_496, %get3A_11] : memref<96x96xf32, #tpu.memory_space<vmem>>[vector<16xi32>, vector<16xi32>], vector<16xf32>,
      %mul3A_498 = arith.constant 16 : i32
      %mul3A_499 = arith.muli %scan3A_8, %mul3A_498 : i32
      %swap3A_500 = arith.constant 54 : i32
      %swap3A_501 = arith.index_cast %swap3A_500 : i32 to index
      %swap3A_502 = arith.index_cast %mul3A_499 : i32 to index
      %swap3A_503 = tpu.vector_load %arg7[%swap3A_501, %swap3A_502] {strides = array<i32>} : memref<96x512xf32, #tpu.memory_space<vmem>>, vector<16xf32>,
      tpu.vector_store %arg7[%swap3A_501, %swap3A_502], %gather3A_497 {strides = array<i32>} : memref<96x512xf32, #tpu.memory_space<vmem>>, vector<16xf32>,
      %broadcast_in_dim3A_504 = arith.constant 55 : i32
      %broadcast_in_dim3A_505 = vector.broadcast %broadcast_in_dim3A_504 : i32 to vector<16xi32>
      %gather3A_506 = tpu.vector_load_idx %arg6[%broadcast_in_dim3A_505, %get3A_11] : memref<96x96xf32, #tpu.memory_space<vmem>>[vector<16xi32>, vector<16xi32>], vector<16xf32>,
      %mul3A_507 = arith.constant 16 : i32
      %mul3A_508 = arith.muli %scan3A_8, %mul3A_507 : i32
      %swap3A_509 = arith.constant 55 : i32
      %swap3A_510 = arith.index_cast %swap3A_509 : i32 to index
      %swap3A_511 = arith.index_cast %mul3A_508 : i32 to index
      %swap3A_512 = tpu.vector_load %arg7[%swap3A_510, %swap3A_511] {strides = array<i32>} : memref<96x512xf32, #tpu.memory_space<vmem>>, vector<16xf32>,
      tpu.vector_store %arg7[%swap3A_510, %swap3A_511], %gather3A_506 {strides = array<i32>} : memref<96x512xf32, #tpu.memory_space<vmem>>, vector<16xf32>,
      %broadcast_in_dim3A_513 = arith.constant 56 : i32
      %broadcast_in_dim3A_514 = vector.broadcast %broadcast_in_dim3A_513 : i32 to vector<16xi32>
      %gather3A_515 = tpu.vector_load_idx %arg6[%broadcast_in_dim3A_514, %get3A_11] : memref<96x96xf32, #tpu.memory_space<vmem>>[vector<16xi32>, vector<16xi32>], vector<16xf32>,
      %mul3A_516 = arith.constant 16 : i32
      %mul3A_517 = arith.muli %scan3A_8, %mul3A_516 : i32
      %swap3A_518 = arith.constant 56 : i32
      %swap3A_519 = arith.index_cast %swap3A_518 : i32 to index
      %swap3A_520 = arith.index_cast %mul3A_517 : i32 to index
      %swap3A_521 = tpu.vector_load %arg7[%swap3A_519, %swap3A_520] {strides = array<i32>} : memref<96x512xf32, #tpu.memory_space<vmem>>, vector<16xf32>,
      tpu.vector_store %arg7[%swap3A_519, %swap3A_520], %gather3A_515 {strides = array<i32>} : memref<96x512xf32, #tpu.memory_space<vmem>>, vector<16xf32>,
      %broadcast_in_dim3A_522 = arith.constant 57 : i32
      %broadcast_in_dim3A_523 = vector.broadcast %broadcast_in_dim3A_522 : i32 to vector<16xi32>
      %gather3A_524 = tpu.vector_load_idx %arg6[%broadcast_in_dim3A_523, %get3A_11] : memref<96x96xf32, #tpu.memory_space<vmem>>[vector<16xi32>, vector<16xi32>], vector<16xf32>,
      %mul3A_525 = arith.constant 16 : i32
      %mul3A_526 = arith.muli %scan3A_8, %mul3A_525 : i32
      %swap3A_527 = arith.constant 57 : i32
      %swap3A_528 = arith.index_cast %swap3A_527 : i32 to index
      %swap3A_529 = arith.index_cast %mul3A_526 : i32 to index
      %swap3A_530 = tpu.vector_load %arg7[%swap3A_528, %swap3A_529] {strides = array<i32>} : memref<96x512xf32, #tpu.memory_space<vmem>>, vector<16xf32>,
      tpu.vector_store %arg7[%swap3A_528, %swap3A_529], %gather3A_524 {strides = array<i32>} : memref<96x512xf32, #tpu.memory_space<vmem>>, vector<16xf32>,
      %broadcast_in_dim3A_531 = arith.constant 58 : i32
      %broadcast_in_dim3A_532 = vector.broadcast %broadcast_in_dim3A_531 : i32 to vector<16xi32>
      %gather3A_533 = tpu.vector_load_idx %arg6[%broadcast_in_dim3A_532, %get3A_11] : memref<96x96xf32, #tpu.memory_space<vmem>>[vector<16xi32>, vector<16xi32>], vector<16xf32>,
      %mul3A_534 = arith.constant 16 : i32
      %mul3A_535 = arith.muli %scan3A_8, %mul3A_534 : i32
      %swap3A_536 = arith.constant 58 : i32
      %swap3A_537 = arith.index_cast %swap3A_536 : i32 to index
      %swap3A_538 = arith.index_cast %mul3A_535 : i32 to index
      %swap3A_539 = tpu.vector_load %arg7[%swap3A_537, %swap3A_538] {strides = array<i32>} : memref<96x512xf32, #tpu.memory_space<vmem>>, vector<16xf32>,
      tpu.vector_store %arg7[%swap3A_537, %swap3A_538], %gather3A_533 {strides = array<i32>} : memref<96x512xf32, #tpu.memory_space<vmem>>, vector<16xf32>,
      %broadcast_in_dim3A_540 = arith.constant 59 : i32
      %broadcast_in_dim3A_541 = vector.broadcast %broadcast_in_dim3A_540 : i32 to vector<16xi32>
      %gather3A_542 = tpu.vector_load_idx %arg6[%broadcast_in_dim3A_541, %get3A_11] : memref<96x96xf32, #tpu.memory_space<vmem>>[vector<16xi32>, vector<16xi32>], vector<16xf32>,
      %mul3A_543 = arith.constant 16 : i32
      %mul3A_544 = arith.muli %scan3A_8, %mul3A_543 : i32
      %swap3A_545 = arith.constant 59 : i32
      %swap3A_546 = arith.index_cast %swap3A_545 : i32 to index
      %swap3A_547 = arith.index_cast %mul3A_544 : i32 to index
      %swap3A_548 = tpu.vector_load %arg7[%swap3A_546, %swap3A_547] {strides = array<i32>} : memref<96x512xf32, #tpu.memory_space<vmem>>, vector<16xf32>,
      tpu.vector_store %arg7[%swap3A_546, %swap3A_547], %gather3A_542 {strides = array<i32>} : memref<96x512xf32, #tpu.memory_space<vmem>>, vector<16xf32>,
      %broadcast_in_dim3A_549 = arith.constant 60 : i32
      %broadcast_in_dim3A_550 = vector.broadcast %broadcast_in_dim3A_549 : i32 to vector<16xi32>
      %gather3A_551 = tpu.vector_load_idx %arg6[%broadcast_in_dim3A_550, %get3A_11] : memref<96x96xf32, #tpu.memory_space<vmem>>[vector<16xi32>, vector<16xi32>], vector<16xf32>,
      %mul3A_552 = arith.constant 16 : i32
      %mul3A_553 = arith.muli %scan3A_8, %mul3A_552 : i32
      %swap3A_554 = arith.constant 60 : i32
      %swap3A_555 = arith.index_cast %swap3A_554 : i32 to index
      %swap3A_556 = arith.index_cast %mul3A_553 : i32 to index
      %swap3A_557 = tpu.vector_load %arg7[%swap3A_555, %swap3A_556] {strides = array<i32>} : memref<96x512xf32, #tpu.memory_space<vmem>>, vector<16xf32>,
      tpu.vector_store %arg7[%swap3A_555, %swap3A_556], %gather3A_551 {strides = array<i32>} : memref<96x512xf32, #tpu.memory_space<vmem>>, vector<16xf32>,
      %broadcast_in_dim3A_558 = arith.constant 61 : i32
      %broadcast_in_dim3A_559 = vector.broadcast %broadcast_in_dim3A_558 : i32 to vector<16xi32>
      %gather3A_560 = tpu.vector_load_idx %arg6[%broadcast_in_dim3A_559, %get3A_11] : memref<96x96xf32, #tpu.memory_space<vmem>>[vector<16xi32>, vector<16xi32>], vector<16xf32>,
      %mul3A_561 = arith.constant 16 : i32
      %mul3A_562 = arith.muli %scan3A_8, %mul3A_561 : i32
      %swap3A_563 = arith.constant 61 : i32
      %swap3A_564 = arith.index_cast %swap3A_563 : i32 to index
      %swap3A_565 = arith.index_cast %mul3A_562 : i32 to index
      %swap3A_566 = tpu.vector_load %arg7[%swap3A_564, %swap3A_565] {strides = array<i32>} : memref<96x512xf32, #tpu.memory_space<vmem>>, vector<16xf32>,
      tpu.vector_store %arg7[%swap3A_564, %swap3A_565], %gather3A_560 {strides = array<i32>} : memref<96x512xf32, #tpu.memory_space<vmem>>, vector<16xf32>,
      %broadcast_in_dim3A_567 = arith.constant 62 : i32
      %broadcast_in_dim3A_568 = vector.broadcast %broadcast_in_dim3A_567 : i32 to vector<16xi32>
      %gather3A_569 = tpu.vector_load_idx %arg6[%broadcast_in_dim3A_568, %get3A_11] : memref<96x96xf32, #tpu.memory_space<vmem>>[vector<16xi32>, vector<16xi32>], vector<16xf32>,
      %mul3A_570 = arith.constant 16 : i32
      %mul3A_571 = arith.muli %scan3A_8, %mul3A_570 : i32
      %swap3A_572 = arith.constant 62 : i32
      %swap3A_573 = arith.index_cast %swap3A_572 : i32 to index
      %swap3A_574 = arith.index_cast %mul3A_571 : i32 to index
      %swap3A_575 = tpu.vector_load %arg7[%swap3A_573, %swap3A_574] {strides = array<i32>} : memref<96x512xf32, #tpu.memory_space<vmem>>, vector<16xf32>,
      tpu.vector_store %arg7[%swap3A_573, %swap3A_574], %gather3A_569 {strides = array<i32>} : memref<96x512xf32, #tpu.memory_space<vmem>>, vector<16xf32>,
      %broadcast_in_dim3A_576 = arith.constant 63 : i32
      %broadcast_in_dim3A_577 = vector.broadcast %broadcast_in_dim3A_576 : i32 to vector<16xi32>
      %gather3A_578 = tpu.vector_load_idx %arg6[%broadcast_in_dim3A_577, %get3A_11] : memref<96x96xf32, #tpu.memory_space<vmem>>[vector<16xi32>, vector<16xi32>], vector<16xf32>,
      %mul3A_579 = arith.constant 16 : i32
      %mul3A_580 = arith.muli %scan3A_8, %mul3A_579 : i32
      %swap3A_581 = arith.constant 63 : i32
      %swap3A_582 = arith.index_cast %swap3A_581 : i32 to index
      %swap3A_583 = arith.index_cast %mul3A_580 : i32 to index
      %swap3A_584 = tpu.vector_load %arg7[%swap3A_582, %swap3A_583] {strides = array<i32>} : memref<96x512xf32, #tpu.memory_space<vmem>>, vector<16xf32>,
      tpu.vector_store %arg7[%swap3A_582, %swap3A_583], %gather3A_578 {strides = array<i32>} : memref<96x512xf32, #tpu.memory_space<vmem>>, vector<16xf32>,
      %broadcast_in_dim3A_585 = arith.constant 64 : i32
      %broadcast_in_dim3A_586 = vector.broadcast %broadcast_in_dim3A_585 : i32 to vector<16xi32>
      %gather3A_587 = tpu.vector_load_idx %arg6[%broadcast_in_dim3A_586, %get3A_11] : memref<96x96xf32, #tpu.memory_space<vmem>>[vector<16xi32>, vector<16xi32>], vector<16xf32>,
      %mul3A_588 = arith.constant 16 : i32
      %mul3A_589 = arith.muli %scan3A_8, %mul3A_588 : i32
      %swap3A_590 = arith.constant 64 : i32
      %swap3A_591 = arith.index_cast %swap3A_590 : i32 to index
      %swap3A_592 = arith.index_cast %mul3A_589 : i32 to index
      %swap3A_593 = tpu.vector_load %arg7[%swap3A_591, %swap3A_592] {strides = array<i32>} : memref<96x512xf32, #tpu.memory_space<vmem>>, vector<16xf32>,
      tpu.vector_store %arg7[%swap3A_591, %swap3A_592], %gather3A_587 {strides = array<i32>} : memref<96x512xf32, #tpu.memory_space<vmem>>, vector<16xf32>,
      %broadcast_in_dim3A_594 = arith.constant 65 : i32
      %broadcast_in_dim3A_595 = vector.broadcast %broadcast_in_dim3A_594 : i32 to vector<16xi32>
      %gather3A_596 = tpu.vector_load_idx %arg6[%broadcast_in_dim3A_595, %get3A_11] : memref<96x96xf32, #tpu.memory_space<vmem>>[vector<16xi32>, vector<16xi32>], vector<16xf32>,
      %mul3A_597 = arith.constant 16 : i32
      %mul3A_598 = arith.muli %scan3A_8, %mul3A_597 : i32
      %swap3A_599 = arith.constant 65 : i32
      %swap3A_600 = arith.index_cast %swap3A_599 : i32 to index
      %swap3A_601 = arith.index_cast %mul3A_598 : i32 to index
      %swap3A_602 = tpu.vector_load %arg7[%swap3A_600, %swap3A_601] {strides = array<i32>} : memref<96x512xf32, #tpu.memory_space<vmem>>, vector<16xf32>,
      tpu.vector_store %arg7[%swap3A_600, %swap3A_601], %gather3A_596 {strides = array<i32>} : memref<96x512xf32, #tpu.memory_space<vmem>>, vector<16xf32>,
      %broadcast_in_dim3A_603 = arith.constant 66 : i32
      %broadcast_in_dim3A_604 = vector.broadcast %broadcast_in_dim3A_603 : i32 to vector<16xi32>
      %gather3A_605 = tpu.vector_load_idx %arg6[%broadcast_in_dim3A_604, %get3A_11] : memref<96x96xf32, #tpu.memory_space<vmem>>[vector<16xi32>, vector<16xi32>], vector<16xf32>,
      %mul3A_606 = arith.constant 16 : i32
      %mul3A_607 = arith.muli %scan3A_8, %mul3A_606 : i32
      %swap3A_608 = arith.constant 66 : i32
      %swap3A_609 = arith.index_cast %swap3A_608 : i32 to index
      %swap3A_610 = arith.index_cast %mul3A_607 : i32 to index
      %swap3A_611 = tpu.vector_load %arg7[%swap3A_609, %swap3A_610] {strides = array<i32>} : memref<96x512xf32, #tpu.memory_space<vmem>>, vector<16xf32>,
      tpu.vector_store %arg7[%swap3A_609, %swap3A_610], %gather3A_605 {strides = array<i32>} : memref<96x512xf32, #tpu.memory_space<vmem>>, vector<16xf32>,
      %broadcast_in_dim3A_612 = arith.constant 67 : i32
      %broadcast_in_dim3A_613 = vector.broadcast %broadcast_in_dim3A_612 : i32 to vector<16xi32>
      %gather3A_614 = tpu.vector_load_idx %arg6[%broadcast_in_dim3A_613, %get3A_11] : memref<96x96xf32, #tpu.memory_space<vmem>>[vector<16xi32>, vector<16xi32>], vector<16xf32>,
      %mul3A_615 = arith.constant 16 : i32
      %mul3A_616 = arith.muli %scan3A_8, %mul3A_615 : i32
      %swap3A_617 = arith.constant 67 : i32
      %swap3A_618 = arith.index_cast %swap3A_617 : i32 to index
      %swap3A_619 = arith.index_cast %mul3A_616 : i32 to index
      %swap3A_620 = tpu.vector_load %arg7[%swap3A_618, %swap3A_619] {strides = array<i32>} : memref<96x512xf32, #tpu.memory_space<vmem>>, vector<16xf32>,
      tpu.vector_store %arg7[%swap3A_618, %swap3A_619], %gather3A_614 {strides = array<i32>} : memref<96x512xf32, #tpu.memory_space<vmem>>, vector<16xf32>,
      %broadcast_in_dim3A_621 = arith.constant 68 : i32
      %broadcast_in_dim3A_622 = vector.broadcast %broadcast_in_dim3A_621 : i32 to vector<16xi32>
      %gather3A_623 = tpu.vector_load_idx %arg6[%broadcast_in_dim3A_622, %get3A_11] : memref<96x96xf32, #tpu.memory_space<vmem>>[vector<16xi32>, vector<16xi32>], vector<16xf32>,
      %mul3A_624 = arith.constant 16 : i32
      %mul3A_625 = arith.muli %scan3A_8, %mul3A_624 : i32
      %swap3A_626 = arith.constant 68 : i32
      %swap3A_627 = arith.index_cast %swap3A_626 : i32 to index
      %swap3A_628 = arith.index_cast %mul3A_625 : i32 to index
      %swap3A_629 = tpu.vector_load %arg7[%swap3A_627, %swap3A_628] {strides = array<i32>} : memref<96x512xf32, #tpu.memory_space<vmem>>, vector<16xf32>,
      tpu.vector_store %arg7[%swap3A_627, %swap3A_628], %gather3A_623 {strides = array<i32>} : memref<96x512xf32, #tpu.memory_space<vmem>>, vector<16xf32>,
      %broadcast_in_dim3A_630 = arith.constant 69 : i32
      %broadcast_in_dim3A_631 = vector.broadcast %broadcast_in_dim3A_630 : i32 to vector<16xi32>
      %gather3A_632 = tpu.vector_load_idx %arg6[%broadcast_in_dim3A_631, %get3A_11] : memref<96x96xf32, #tpu.memory_space<vmem>>[vector<16xi32>, vector<16xi32>], vector<16xf32>,
      %mul3A_633 = arith.constant 16 : i32
      %mul3A_634 = arith.muli %scan3A_8, %mul3A_633 : i32
      %swap3A_635 = arith.constant 69 : i32
      %swap3A_636 = arith.index_cast %swap3A_635 : i32 to index
      %swap3A_637 = arith.index_cast %mul3A_634 : i32 to index
      %swap3A_638 = tpu.vector_load %arg7[%swap3A_636, %swap3A_637] {strides = array<i32>} : memref<96x512xf32, #tpu.memory_space<vmem>>, vector<16xf32>,
      tpu.vector_store %arg7[%swap3A_636, %swap3A_637], %gather3A_632 {strides = array<i32>} : memref<96x512xf32, #tpu.memory_space<vmem>>, vector<16xf32>,
      %broadcast_in_dim3A_639 = arith.constant 70 : i32
      %broadcast_in_dim3A_640 = vector.broadcast %broadcast_in_dim3A_639 : i32 to vector<16xi32>
      %gather3A_641 = tpu.vector_load_idx %arg6[%broadcast_in_dim3A_640, %get3A_11] : memref<96x96xf32, #tpu.memory_space<vmem>>[vector<16xi32>, vector<16xi32>], vector<16xf32>,
      %mul3A_642 = arith.constant 16 : i32
      %mul3A_643 = arith.muli %scan3A_8, %mul3A_642 : i32
      %swap3A_644 = arith.constant 70 : i32
      %swap3A_645 = arith.index_cast %swap3A_644 : i32 to index
      %swap3A_646 = arith.index_cast %mul3A_643 : i32 to index
      %swap3A_647 = tpu.vector_load %arg7[%swap3A_645, %swap3A_646] {strides = array<i32>} : memref<96x512xf32, #tpu.memory_space<vmem>>, vector<16xf32>,
      tpu.vector_store %arg7[%swap3A_645, %swap3A_646], %gather3A_641 {strides = array<i32>} : memref<96x512xf32, #tpu.memory_space<vmem>>, vector<16xf32>,
      %broadcast_in_dim3A_648 = arith.constant 71 : i32
      %broadcast_in_dim3A_649 = vector.broadcast %broadcast_in_dim3A_648 : i32 to vector<16xi32>
      %gather3A_650 = tpu.vector_load_idx %arg6[%broadcast_in_dim3A_649, %get3A_11] : memref<96x96xf32, #tpu.memory_space<vmem>>[vector<16xi32>, vector<16xi32>], vector<16xf32>,
      %mul3A_651 = arith.constant 16 : i32
      %mul3A_652 = arith.muli %scan3A_8, %mul3A_651 : i32
      %swap3A_653 = arith.constant 71 : i32
      %swap3A_654 = arith.index_cast %swap3A_653 : i32 to index
      %swap3A_655 = arith.index_cast %mul3A_652 : i32 to index
      %swap3A_656 = tpu.vector_load %arg7[%swap3A_654, %swap3A_655] {strides = array<i32>} : memref<96x512xf32, #tpu.memory_space<vmem>>, vector<16xf32>,
      tpu.vector_store %arg7[%swap3A_654, %swap3A_655], %gather3A_650 {strides = array<i32>} : memref<96x512xf32, #tpu.memory_space<vmem>>, vector<16xf32>,
      %broadcast_in_dim3A_657 = arith.constant 72 : i32
      %broadcast_in_dim3A_658 = vector.broadcast %broadcast_in_dim3A_657 : i32 to vector<16xi32>
      %gather3A_659 = tpu.vector_load_idx %arg6[%broadcast_in_dim3A_658, %get3A_11] : memref<96x96xf32, #tpu.memory_space<vmem>>[vector<16xi32>, vector<16xi32>], vector<16xf32>,
      %mul3A_660 = arith.constant 16 : i32
      %mul3A_661 = arith.muli %scan3A_8, %mul3A_660 : i32
      %swap3A_662 = arith.constant 72 : i32
      %swap3A_663 = arith.index_cast %swap3A_662 : i32 to index
      %swap3A_664 = arith.index_cast %mul3A_661 : i32 to index
      %swap3A_665 = tpu.vector_load %arg7[%swap3A_663, %swap3A_664] {strides = array<i32>} : memref<96x512xf32, #tpu.memory_space<vmem>>, vector<16xf32>,
      tpu.vector_store %arg7[%swap3A_663, %swap3A_664], %gather3A_659 {strides = array<i32>} : memref<96x512xf32, #tpu.memory_space<vmem>>, vector<16xf32>,
      %broadcast_in_dim3A_666 = arith.constant 73 : i32
      %broadcast_in_dim3A_667 = vector.broadcast %broadcast_in_dim3A_666 : i32 to vector<16xi32>
      %gather3A_668 = tpu.vector_load_idx %arg6[%broadcast_in_dim3A_667, %get3A_11] : memref<96x96xf32, #tpu.memory_space<vmem>>[vector<16xi32>, vector<16xi32>], vector<16xf32>,
      %mul3A_669 = arith.constant 16 : i32
      %mul3A_670 = arith.muli %scan3A_8, %mul3A_669 : i32
      %swap3A_671 = arith.constant 73 : i32
      %swap3A_672 = arith.index_cast %swap3A_671 : i32 to index
      %swap3A_673 = arith.index_cast %mul3A_670 : i32 to index
      %swap3A_674 = tpu.vector_load %arg7[%swap3A_672, %swap3A_673] {strides = array<i32>} : memref<96x512xf32, #tpu.memory_space<vmem>>, vector<16xf32>,
      tpu.vector_store %arg7[%swap3A_672, %swap3A_673], %gather3A_668 {strides = array<i32>} : memref<96x512xf32, #tpu.memory_space<vmem>>, vector<16xf32>,
      %broadcast_in_dim3A_675 = arith.constant 74 : i32
      %broadcast_in_dim3A_676 = vector.broadcast %broadcast_in_dim3A_675 : i32 to vector<16xi32>
      %gather3A_677 = tpu.vector_load_idx %arg6[%broadcast_in_dim3A_676, %get3A_11] : memref<96x96xf32, #tpu.memory_space<vmem>>[vector<16xi32>, vector<16xi32>], vector<16xf32>,
      %mul3A_678 = arith.constant 16 : i32
      %mul3A_679 = arith.muli %scan3A_8, %mul3A_678 : i32
      %swap3A_680 = arith.constant 74 : i32
      %swap3A_681 = arith.index_cast %swap3A_680 : i32 to index
      %swap3A_682 = arith.index_cast %mul3A_679 : i32 to index
      %swap3A_683 = tpu.vector_load %arg7[%swap3A_681, %swap3A_682] {strides = array<i32>} : memref<96x512xf32, #tpu.memory_space<vmem>>, vector<16xf32>,
      tpu.vector_store %arg7[%swap3A_681, %swap3A_682], %gather3A_677 {strides = array<i32>} : memref<96x512xf32, #tpu.memory_space<vmem>>, vector<16xf32>,
      %broadcast_in_dim3A_684 = arith.constant 75 : i32
      %broadcast_in_dim3A_685 = vector.broadcast %broadcast_in_dim3A_684 : i32 to vector<16xi32>
      %gather3A_686 = tpu.vector_load_idx %arg6[%broadcast_in_dim3A_685, %get3A_11] : memref<96x96xf32, #tpu.memory_space<vmem>>[vector<16xi32>, vector<16xi32>], vector<16xf32>,
      %mul3A_687 = arith.constant 16 : i32
      %mul3A_688 = arith.muli %scan3A_8, %mul3A_687 : i32
      %swap3A_689 = arith.constant 75 : i32
      %swap3A_690 = arith.index_cast %swap3A_689 : i32 to index
      %swap3A_691 = arith.index_cast %mul3A_688 : i32 to index
      %swap3A_692 = tpu.vector_load %arg7[%swap3A_690, %swap3A_691] {strides = array<i32>} : memref<96x512xf32, #tpu.memory_space<vmem>>, vector<16xf32>,
      tpu.vector_store %arg7[%swap3A_690, %swap3A_691], %gather3A_686 {strides = array<i32>} : memref<96x512xf32, #tpu.memory_space<vmem>>, vector<16xf32>,
      %broadcast_in_dim3A_693 = arith.constant 76 : i32
      %broadcast_in_dim3A_694 = vector.broadcast %broadcast_in_dim3A_693 : i32 to vector<16xi32>
      %gather3A_695 = tpu.vector_load_idx %arg6[%broadcast_in_dim3A_694, %get3A_11] : memref<96x96xf32, #tpu.memory_space<vmem>>[vector<16xi32>, vector<16xi32>], vector<16xf32>,
      %mul3A_696 = arith.constant 16 : i32
      %mul3A_697 = arith.muli %scan3A_8, %mul3A_696 : i32
      %swap3A_698 = arith.constant 76 : i32
      %swap3A_699 = arith.index_cast %swap3A_698 : i32 to index
      %swap3A_700 = arith.index_cast %mul3A_697 : i32 to index
      %swap3A_701 = tpu.vector_load %arg7[%swap3A_699, %swap3A_700] {strides = array<i32>} : memref<96x512xf32, #tpu.memory_space<vmem>>, vector<16xf32>,
      tpu.vector_store %arg7[%swap3A_699, %swap3A_700], %gather3A_695 {strides = array<i32>} : memref<96x512xf32, #tpu.memory_space<vmem>>, vector<16xf32>,
      %broadcast_in_dim3A_702 = arith.constant 77 : i32
      %broadcast_in_dim3A_703 = vector.broadcast %broadcast_in_dim3A_702 : i32 to vector<16xi32>
      %gather3A_704 = tpu.vector_load_idx %arg6[%broadcast_in_dim3A_703, %get3A_11] : memref<96x96xf32, #tpu.memory_space<vmem>>[vector<16xi32>, vector<16xi32>], vector<16xf32>,
      %mul3A_705 = arith.constant 16 : i32
      %mul3A_706 = arith.muli %scan3A_8, %mul3A_705 : i32
      %swap3A_707 = arith.constant 77 : i32
      %swap3A_708 = arith.index_cast %swap3A_707 : i32 to index
      %swap3A_709 = arith.index_cast %mul3A_706 : i32 to index
      %swap3A_710 = tpu.vector_load %arg7[%swap3A_708, %swap3A_709] {strides = array<i32>} : memref<96x512xf32, #tpu.memory_space<vmem>>, vector<16xf32>,
      tpu.vector_store %arg7[%swap3A_708, %swap3A_709], %gather3A_704 {strides = array<i32>} : memref<96x512xf32, #tpu.memory_space<vmem>>, vector<16xf32>,
      %broadcast_in_dim3A_711 = arith.constant 78 : i32
      %broadcast_in_dim3A_712 = vector.broadcast %broadcast_in_dim3A_711 : i32 to vector<16xi32>
      %gather3A_713 = tpu.vector_load_idx %arg6[%broadcast_in_dim3A_712, %get3A_11] : memref<96x96xf32, #tpu.memory_space<vmem>>[vector<16xi32>, vector<16xi32>], vector<16xf32>,
      %mul3A_714 = arith.constant 16 : i32
      %mul3A_715 = arith.muli %scan3A_8, %mul3A_714 : i32
      %swap3A_716 = arith.constant 78 : i32
      %swap3A_717 = arith.index_cast %swap3A_716 : i32 to index
      %swap3A_718 = arith.index_cast %mul3A_715 : i32 to index
      %swap3A_719 = tpu.vector_load %arg7[%swap3A_717, %swap3A_718] {strides = array<i32>} : memref<96x512xf32, #tpu.memory_space<vmem>>, vector<16xf32>,
      tpu.vector_store %arg7[%swap3A_717, %swap3A_718], %gather3A_713 {strides = array<i32>} : memref<96x512xf32, #tpu.memory_space<vmem>>, vector<16xf32>,
      %broadcast_in_dim3A_720 = arith.constant 79 : i32
      %broadcast_in_dim3A_721 = vector.broadcast %broadcast_in_dim3A_720 : i32 to vector<16xi32>
      %gather3A_722 = tpu.vector_load_idx %arg6[%broadcast_in_dim3A_721, %get3A_11] : memref<96x96xf32, #tpu.memory_space<vmem>>[vector<16xi32>, vector<16xi32>], vector<16xf32>,
      %mul3A_723 = arith.constant 16 : i32
      %mul3A_724 = arith.muli %scan3A_8, %mul3A_723 : i32
      %swap3A_725 = arith.constant 79 : i32
      %swap3A_726 = arith.index_cast %swap3A_725 : i32 to index
      %swap3A_727 = arith.index_cast %mul3A_724 : i32 to index
      %swap3A_728 = tpu.vector_load %arg7[%swap3A_726, %swap3A_727] {strides = array<i32>} : memref<96x512xf32, #tpu.memory_space<vmem>>, vector<16xf32>,
      tpu.vector_store %arg7[%swap3A_726, %swap3A_727], %gather3A_722 {strides = array<i32>} : memref<96x512xf32, #tpu.memory_space<vmem>>, vector<16xf32>,
      %broadcast_in_dim3A_729 = arith.constant 80 : i32
      %broadcast_in_dim3A_730 = vector.broadcast %broadcast_in_dim3A_729 : i32 to vector<16xi32>
      %gather3A_731 = tpu.vector_load_idx %arg6[%broadcast_in_dim3A_730, %get3A_11] : memref<96x96xf32, #tpu.memory_space<vmem>>[vector<16xi32>, vector<16xi32>], vector<16xf32>,
      %mul3A_732 = arith.constant 16 : i32
      %mul3A_733 = arith.muli %scan3A_8, %mul3A_732 : i32
      %swap3A_734 = arith.constant 80 : i32
      %swap3A_735 = arith.index_cast %swap3A_734 : i32 to index
      %swap3A_736 = arith.index_cast %mul3A_733 : i32 to index
      %swap3A_737 = tpu.vector_load %arg7[%swap3A_735, %swap3A_736] {strides = array<i32>} : memref<96x512xf32, #tpu.memory_space<vmem>>, vector<16xf32>,
      tpu.vector_store %arg7[%swap3A_735, %swap3A_736], %gather3A_731 {strides = array<i32>} : memref<96x512xf32, #tpu.memory_space<vmem>>, vector<16xf32>,
      %broadcast_in_dim3A_738 = arith.constant 81 : i32
      %broadcast_in_dim3A_739 = vector.broadcast %broadcast_in_dim3A_738 : i32 to vector<16xi32>
      %gather3A_740 = tpu.vector_load_idx %arg6[%broadcast_in_dim3A_739, %get3A_11] : memref<96x96xf32, #tpu.memory_space<vmem>>[vector<16xi32>, vector<16xi32>], vector<16xf32>,
      %mul3A_741 = arith.constant 16 : i32
      %mul3A_742 = arith.muli %scan3A_8, %mul3A_741 : i32
      %swap3A_743 = arith.constant 81 : i32
      %swap3A_744 = arith.index_cast %swap3A_743 : i32 to index
      %swap3A_745 = arith.index_cast %mul3A_742 : i32 to index
      %swap3A_746 = tpu.vector_load %arg7[%swap3A_744, %swap3A_745] {strides = array<i32>} : memref<96x512xf32, #tpu.memory_space<vmem>>, vector<16xf32>,
      tpu.vector_store %arg7[%swap3A_744, %swap3A_745], %gather3A_740 {strides = array<i32>} : memref<96x512xf32, #tpu.memory_space<vmem>>, vector<16xf32>,
      %broadcast_in_dim3A_747 = arith.constant 82 : i32
      %broadcast_in_dim3A_748 = vector.broadcast %broadcast_in_dim3A_747 : i32 to vector<16xi32>
      %gather3A_749 = tpu.vector_load_idx %arg6[%broadcast_in_dim3A_748, %get3A_11] : memref<96x96xf32, #tpu.memory_space<vmem>>[vector<16xi32>, vector<16xi32>], vector<16xf32>,
      %mul3A_750 = arith.constant 16 : i32
      %mul3A_751 = arith.muli %scan3A_8, %mul3A_750 : i32
      %swap3A_752 = arith.constant 82 : i32
      %swap3A_753 = arith.index_cast %swap3A_752 : i32 to index
      %swap3A_754 = arith.index_cast %mul3A_751 : i32 to index
      %swap3A_755 = tpu.vector_load %arg7[%swap3A_753, %swap3A_754] {strides = array<i32>} : memref<96x512xf32, #tpu.memory_space<vmem>>, vector<16xf32>,
      tpu.vector_store %arg7[%swap3A_753, %swap3A_754], %gather3A_749 {strides = array<i32>} : memref<96x512xf32, #tpu.memory_space<vmem>>, vector<16xf32>,
      %broadcast_in_dim3A_756 = arith.constant 83 : i32
      %broadcast_in_dim3A_757 = vector.broadcast %broadcast_in_dim3A_756 : i32 to vector<16xi32>
      %gather3A_758 = tpu.vector_load_idx %arg6[%broadcast_in_dim3A_757, %get3A_11] : memref<96x96xf32, #tpu.memory_space<vmem>>[vector<16xi32>, vector<16xi32>], vector<16xf32>,
      %mul3A_759 = arith.constant 16 : i32
      %mul3A_760 = arith.muli %scan3A_8, %mul3A_759 : i32
      %swap3A_761 = arith.constant 83 : i32
      %swap3A_762 = arith.index_cast %swap3A_761 : i32 to index
      %swap3A_763 = arith.index_cast %mul3A_760 : i32 to index
      %swap3A_764 = tpu.vector_load %arg7[%swap3A_762, %swap3A_763] {strides = array<i32>} : memref<96x512xf32, #tpu.memory_space<vmem>>, vector<16xf32>,
      tpu.vector_store %arg7[%swap3A_762, %swap3A_763], %gather3A_758 {strides = array<i32>} : memref<96x512xf32, #tpu.memory_space<vmem>>, vector<16xf32>,
      %broadcast_in_dim3A_765 = arith.constant 84 : i32
      %broadcast_in_dim3A_766 = vector.broadcast %broadcast_in_dim3A_765 : i32 to vector<16xi32>
      %gather3A_767 = tpu.vector_load_idx %arg6[%broadcast_in_dim3A_766, %get3A_11] : memref<96x96xf32, #tpu.memory_space<vmem>>[vector<16xi32>, vector<16xi32>], vector<16xf32>,
      %mul3A_768 = arith.constant 16 : i32
      %mul3A_769 = arith.muli %scan3A_8, %mul3A_768 : i32
      %swap3A_770 = arith.constant 84 : i32
      %swap3A_771 = arith.index_cast %swap3A_770 : i32 to index
      %swap3A_772 = arith.index_cast %mul3A_769 : i32 to index
      %swap3A_773 = tpu.vector_load %arg7[%swap3A_771, %swap3A_772] {strides = array<i32>} : memref<96x512xf32, #tpu.memory_space<vmem>>, vector<16xf32>,
      tpu.vector_store %arg7[%swap3A_771, %swap3A_772], %gather3A_767 {strides = array<i32>} : memref<96x512xf32, #tpu.memory_space<vmem>>, vector<16xf32>,
      %broadcast_in_dim3A_774 = arith.constant 85 : i32
      %broadcast_in_dim3A_775 = vector.broadcast %broadcast_in_dim3A_774 : i32 to vector<16xi32>
      %gather3A_776 = tpu.vector_load_idx %arg6[%broadcast_in_dim3A_775, %get3A_11] : memref<96x96xf32, #tpu.memory_space<vmem>>[vector<16xi32>, vector<16xi32>], vector<16xf32>,
      %mul3A_777 = arith.constant 16 : i32
      %mul3A_778 = arith.muli %scan3A_8, %mul3A_777 : i32
      %swap3A_779 = arith.constant 85 : i32
      %swap3A_780 = arith.index_cast %swap3A_779 : i32 to index
      %swap3A_781 = arith.index_cast %mul3A_778 : i32 to index
      %swap3A_782 = tpu.vector_load %arg7[%swap3A_780, %swap3A_781] {strides = array<i32>} : memref<96x512xf32, #tpu.memory_space<vmem>>, vector<16xf32>,
      tpu.vector_store %arg7[%swap3A_780, %swap3A_781], %gather3A_776 {strides = array<i32>} : memref<96x512xf32, #tpu.memory_space<vmem>>, vector<16xf32>,
      %broadcast_in_dim3A_783 = arith.constant 86 : i32
      %broadcast_in_dim3A_784 = vector.broadcast %broadcast_in_dim3A_783 : i32 to vector<16xi32>
      %gather3A_785 = tpu.vector_load_idx %arg6[%broadcast_in_dim3A_784, %get3A_11] : memref<96x96xf32, #tpu.memory_space<vmem>>[vector<16xi32>, vector<16xi32>], vector<16xf32>,
      %mul3A_786 = arith.constant 16 : i32
      %mul3A_787 = arith.muli %scan3A_8, %mul3A_786 : i32
      %swap3A_788 = arith.constant 86 : i32
      %swap3A_789 = arith.index_cast %swap3A_788 : i32 to index
      %swap3A_790 = arith.index_cast %mul3A_787 : i32 to index
      %swap3A_791 = tpu.vector_load %arg7[%swap3A_789, %swap3A_790] {strides = array<i32>} : memref<96x512xf32, #tpu.memory_space<vmem>>, vector<16xf32>,
      tpu.vector_store %arg7[%swap3A_789, %swap3A_790], %gather3A_785 {strides = array<i32>} : memref<96x512xf32, #tpu.memory_space<vmem>>, vector<16xf32>,
      %broadcast_in_dim3A_792 = arith.constant 87 : i32
      %broadcast_in_dim3A_793 = vector.broadcast %broadcast_in_dim3A_792 : i32 to vector<16xi32>
      %gather3A_794 = tpu.vector_load_idx %arg6[%broadcast_in_dim3A_793, %get3A_11] : memref<96x96xf32, #tpu.memory_space<vmem>>[vector<16xi32>, vector<16xi32>], vector<16xf32>,
      %mul3A_795 = arith.constant 16 : i32
      %mul3A_796 = arith.muli %scan3A_8, %mul3A_795 : i32
      %swap3A_797 = arith.constant 87 : i32
      %swap3A_798 = arith.index_cast %swap3A_797 : i32 to index
      %swap3A_799 = arith.index_cast %mul3A_796 : i32 to index
      %swap3A_800 = tpu.vector_load %arg7[%swap3A_798, %swap3A_799] {strides = array<i32>} : memref<96x512xf32, #tpu.memory_space<vmem>>, vector<16xf32>,
      tpu.vector_store %arg7[%swap3A_798, %swap3A_799], %gather3A_794 {strides = array<i32>} : memref<96x512xf32, #tpu.memory_space<vmem>>, vector<16xf32>,
      %broadcast_in_dim3A_801 = arith.constant 88 : i32
      %broadcast_in_dim3A_802 = vector.broadcast %broadcast_in_dim3A_801 : i32 to vector<16xi32>
      %gather3A_803 = tpu.vector_load_idx %arg6[%broadcast_in_dim3A_802, %get3A_11] : memref<96x96xf32, #tpu.memory_space<vmem>>[vector<16xi32>, vector<16xi32>], vector<16xf32>,
      %mul3A_804 = arith.constant 16 : i32
      %mul3A_805 = arith.muli %scan3A_8, %mul3A_804 : i32
      %swap3A_806 = arith.constant 88 : i32
      %swap3A_807 = arith.index_cast %swap3A_806 : i32 to index
      %swap3A_808 = arith.index_cast %mul3A_805 : i32 to index
      %swap3A_809 = tpu.vector_load %arg7[%swap3A_807, %swap3A_808] {strides = array<i32>} : memref<96x512xf32, #tpu.memory_space<vmem>>, vector<16xf32>,
      tpu.vector_store %arg7[%swap3A_807, %swap3A_808], %gather3A_803 {strides = array<i32>} : memref<96x512xf32, #tpu.memory_space<vmem>>, vector<16xf32>,
      %broadcast_in_dim3A_810 = arith.constant 89 : i32
      %broadcast_in_dim3A_811 = vector.broadcast %broadcast_in_dim3A_810 : i32 to vector<16xi32>
      %gather3A_812 = tpu.vector_load_idx %arg6[%broadcast_in_dim3A_811, %get3A_11] : memref<96x96xf32, #tpu.memory_space<vmem>>[vector<16xi32>, vector<16xi32>], vector<16xf32>,
      %mul3A_813 = arith.constant 16 : i32
      %mul3A_814 = arith.muli %scan3A_8, %mul3A_813 : i32
      %swap3A_815 = arith.constant 89 : i32
      %swap3A_816 = arith.index_cast %swap3A_815 : i32 to index
      %swap3A_817 = arith.index_cast %mul3A_814 : i32 to index
      %swap3A_818 = tpu.vector_load %arg7[%swap3A_816, %swap3A_817] {strides = array<i32>} : memref<96x512xf32, #tpu.memory_space<vmem>>, vector<16xf32>,
      tpu.vector_store %arg7[%swap3A_816, %swap3A_817], %gather3A_812 {strides = array<i32>} : memref<96x512xf32, #tpu.memory_space<vmem>>, vector<16xf32>,
      %broadcast_in_dim3A_819 = arith.constant 90 : i32
      %broadcast_in_dim3A_820 = vector.broadcast %broadcast_in_dim3A_819 : i32 to vector<16xi32>
      %gather3A_821 = tpu.vector_load_idx %arg6[%broadcast_in_dim3A_820, %get3A_11] : memref<96x96xf32, #tpu.memory_space<vmem>>[vector<16xi32>, vector<16xi32>], vector<16xf32>,
      %mul3A_822 = arith.constant 16 : i32
      %mul3A_823 = arith.muli %scan3A_8, %mul3A_822 : i32
      %swap3A_824 = arith.constant 90 : i32
      %swap3A_825 = arith.index_cast %swap3A_824 : i32 to index
      %swap3A_826 = arith.index_cast %mul3A_823 : i32 to index
      %swap3A_827 = tpu.vector_load %arg7[%swap3A_825, %swap3A_826] {strides = array<i32>} : memref<96x512xf32, #tpu.memory_space<vmem>>, vector<16xf32>,
      tpu.vector_store %arg7[%swap3A_825, %swap3A_826], %gather3A_821 {strides = array<i32>} : memref<96x512xf32, #tpu.memory_space<vmem>>, vector<16xf32>,
      %broadcast_in_dim3A_828 = arith.constant 91 : i32
      %broadcast_in_dim3A_829 = vector.broadcast %broadcast_in_dim3A_828 : i32 to vector<16xi32>
      %gather3A_830 = tpu.vector_load_idx %arg6[%broadcast_in_dim3A_829, %get3A_11] : memref<96x96xf32, #tpu.memory_space<vmem>>[vector<16xi32>, vector<16xi32>], vector<16xf32>,
      %mul3A_831 = arith.constant 16 : i32
      %mul3A_832 = arith.muli %scan3A_8, %mul3A_831 : i32
      %swap3A_833 = arith.constant 91 : i32
      %swap3A_834 = arith.index_cast %swap3A_833 : i32 to index
      %swap3A_835 = arith.index_cast %mul3A_832 : i32 to index
      %swap3A_836 = tpu.vector_load %arg7[%swap3A_834, %swap3A_835] {strides = array<i32>} : memref<96x512xf32, #tpu.memory_space<vmem>>, vector<16xf32>,
      tpu.vector_store %arg7[%swap3A_834, %swap3A_835], %gather3A_830 {strides = array<i32>} : memref<96x512xf32, #tpu.memory_space<vmem>>, vector<16xf32>,
      %broadcast_in_dim3A_837 = arith.constant 92 : i32
      %broadcast_in_dim3A_838 = vector.broadcast %broadcast_in_dim3A_837 : i32 to vector<16xi32>
      %gather3A_839 = tpu.vector_load_idx %arg6[%broadcast_in_dim3A_838, %get3A_11] : memref<96x96xf32, #tpu.memory_space<vmem>>[vector<16xi32>, vector<16xi32>], vector<16xf32>,
      %mul3A_840 = arith.constant 16 : i32
      %mul3A_841 = arith.muli %scan3A_8, %mul3A_840 : i32
      %swap3A_842 = arith.constant 92 : i32
      %swap3A_843 = arith.index_cast %swap3A_842 : i32 to index
      %swap3A_844 = arith.index_cast %mul3A_841 : i32 to index
      %swap3A_845 = tpu.vector_load %arg7[%swap3A_843, %swap3A_844] {strides = array<i32>} : memref<96x512xf32, #tpu.memory_space<vmem>>, vector<16xf32>,
      tpu.vector_store %arg7[%swap3A_843, %swap3A_844], %gather3A_839 {strides = array<i32>} : memref<96x512xf32, #tpu.memory_space<vmem>>, vector<16xf32>,
      %broadcast_in_dim3A_846 = arith.constant 93 : i32
      %broadcast_in_dim3A_847 = vector.broadcast %broadcast_in_dim3A_846 : i32 to vector<16xi32>
      %gather3A_848 = tpu.vector_load_idx %arg6[%broadcast_in_dim3A_847, %get3A_11] : memref<96x96xf32, #tpu.memory_space<vmem>>[vector<16xi32>, vector<16xi32>], vector<16xf32>,
      %mul3A_849 = arith.constant 16 : i32
      %mul3A_850 = arith.muli %scan3A_8, %mul3A_849 : i32
      %swap3A_851 = arith.constant 93 : i32
      %swap3A_852 = arith.index_cast %swap3A_851 : i32 to index
      %swap3A_853 = arith.index_cast %mul3A_850 : i32 to index
      %swap3A_854 = tpu.vector_load %arg7[%swap3A_852, %swap3A_853] {strides = array<i32>} : memref<96x512xf32, #tpu.memory_space<vmem>>, vector<16xf32>,
      tpu.vector_store %arg7[%swap3A_852, %swap3A_853], %gather3A_848 {strides = array<i32>} : memref<96x512xf32, #tpu.memory_space<vmem>>, vector<16xf32>,
      %broadcast_in_dim3A_855 = arith.constant 94 : i32
      %broadcast_in_dim3A_856 = vector.broadcast %broadcast_in_dim3A_855 : i32 to vector<16xi32>
      %gather3A_857 = tpu.vector_load_idx %arg6[%broadcast_in_dim3A_856, %get3A_11] : memref<96x96xf32, #tpu.memory_space<vmem>>[vector<16xi32>, vector<16xi32>], vector<16xf32>,
      %mul3A_858 = arith.constant 16 : i32
      %mul3A_859 = arith.muli %scan3A_8, %mul3A_858 : i32
      %swap3A_860 = arith.constant 94 : i32
      %swap3A_861 = arith.index_cast %swap3A_860 : i32 to index
      %swap3A_862 = arith.index_cast %mul3A_859 : i32 to index
      %swap3A_863 = tpu.vector_load %arg7[%swap3A_861, %swap3A_862] {strides = array<i32>} : memref<96x512xf32, #tpu.memory_space<vmem>>, vector<16xf32>,
      tpu.vector_store %arg7[%swap3A_861, %swap3A_862], %gather3A_857 {strides = array<i32>} : memref<96x512xf32, #tpu.memory_space<vmem>>, vector<16xf32>,
      %broadcast_in_dim3A_864 = arith.constant 95 : i32
      %broadcast_in_dim3A_865 = vector.broadcast %broadcast_in_dim3A_864 : i32 to vector<16xi32>
      %gather3A_866 = tpu.vector_load_idx %arg6[%broadcast_in_dim3A_865, %get3A_11] : memref<96x96xf32, #tpu.memory_space<vmem>>[vector<16xi32>, vector<16xi32>], vector<16xf32>,
      %mul3A_867 = arith.constant 16 : i32
      %mul3A_868 = arith.muli %scan3A_8, %mul3A_867 : i32
      %swap3A_869 = arith.constant 95 : i32
      %swap3A_870 = arith.index_cast %swap3A_869 : i32 to index
      %swap3A_871 = arith.index_cast %mul3A_868 : i32 to index
      %swap3A_872 = tpu.vector_load %arg7[%swap3A_870, %swap3A_871] {strides = array<i32>} : memref<96x512xf32, #tpu.memory_space<vmem>>, vector<16xf32>,
      tpu.vector_store %arg7[%swap3A_870, %swap3A_871], %gather3A_866 {strides = array<i32>} : memref<96x512xf32, #tpu.memory_space<vmem>>, vector<16xf32>,
    }
    %scan3A_7 = arith.constant 32 : i32
    "tpu.region"() ({
      %run_scoped3A = tpu.sem_alloc : memref<!tpu.dma_semaphore, #tpu.memory_space<semaphore_mem>>
      %dma_start3A = arith.constant 0 : i32
      %dma_start3A_8 = tpu.memref_slice %arg4[%dma_start3A, %mul3A_2] : memref<96x16384xf32, #tpu.memory_space<hbm>> -> memref<96x512xf32, #tpu.memory_space<hbm>>
      %dma_start3A_9 = arith.constant 0 : i32
      %dma_start3A_10 = tpu.memref_slice %arg4[%dma_start3A_9, %mul3A_2] : memref<96x16384xf32, #tpu.memory_space<hbm>> -> memref<96x512xf32, #tpu.memory_space<hbm>>
      tpu.enqueue_dma source(%arg7 : memref<96x512xf32, #tpu.memory_space<vmem>>) target(%dma_start3A_10 : memref<96x512xf32, #tpu.memory_space<hbm>>) target_semaphore(%run_scoped3A : memref<!tpu.dma_semaphore, #tpu.memory_space<semaphore_mem>>)
      %dma_wait3A = arith.constant 0 : i32
      %dma_wait3A_11 = tpu.memref_slice %arg4[%dma_wait3A, %mul3A_2] : memref<96x16384xf32, #tpu.memory_space<hbm>> -> memref<96x512xf32, #tpu.memory_space<hbm>>
      %dma_wait3A_12 = arith.constant 0 : i32
      %dma_wait3A_13 = tpu.memref_slice %arg4[%dma_wait3A_12, %mul3A_2] : memref<96x16384xf32, #tpu.memory_space<hbm>> -> memref<96x512xf32, #tpu.memory_space<hbm>>
      tpu.wait_dma2 semaphore(%run_scoped3A : memref<!tpu.dma_semaphore, #tpu.memory_space<semaphore_mem>>) src(%arg7 : memref<96x512xf32, #tpu.memory_space<vmem>>) dst(%dma_wait3A_13 : memref<96x512xf32, #tpu.memory_space<hbm>>)
      tpu.yield
    }) : () -> ()
    return
  }
}

module attributes {stable_mosaic.version = 14 : i64} {
  func.func @_obs_body(%arg0: i32, %arg1: memref<4096x512xf32, #tpu.memory_space<vmem>>, %arg2: memref<512x4096xf32, #tpu.memory_space<vmem>>) attributes {dimension_semantics = [#tpu.dimension_semantics<arbitrary>], iteration_bounds = array<i64: 4>, scalar_prefetch = 0 : i64, scratch_operands = 0 : i64, tpu.core_type = #tpu.core_type<tc>, window_params = [{transform_indices = @transform_0, window_bounds = array<i64: 4096, 512>}, {transform_indices = @transform_1, window_bounds = array<i64: 512, 4096>}]} {
    %get3A = arith.constant 0 : index
    %get3A_0 = arith.constant 0 : index
    %get3A_1 = vector.load %arg1[%get3A, %get3A_0] : memref<4096x512xf32, #tpu.memory_space<vmem>>, vector<4096x512xf32>
    %transpose3A = tpu.transpose %get3A_1, [1, 0] : vector<4096x512xf32> -> vector<512x4096xf32>
    %swap3A = arith.constant 0 : index
    %swap3A_2 = arith.constant 0 : index
    %swap3A_3 = vector.load %arg2[%swap3A, %swap3A_2] : memref<512x4096xf32, #tpu.memory_space<vmem>>, vector<512x4096xf32>
    tpu.vector_store %arg2[%swap3A, %swap3A_2], %transpose3A {strides = array<i32>} : memref<512x4096xf32, #tpu.memory_space<vmem>>, vector<512x4096xf32>,
    return
  }
  func.func @transform_0(%arg0: i32) -> (i32, i32) {
    %c0_i32 = arith.constant 0 : i32
    %c0_i32_0 = arith.constant 0 : i32
    return %arg0, %c0_i32 : i32, i32
  }
  func.func @transform_1(%arg0: i32) -> (i32, i32) {
    %c0_i32 = arith.constant 0 : i32
    %c0_i32_0 = arith.constant 0 : i32
    return %c0_i32, %arg0 : i32, i32
  }
}

module attributes {stable_mosaic.version = 14 : i64} {
  func.func @_tail_body(%arg0: i32, %arg1: i32, %arg2: memref<608x16384xf32, #tpu.memory_space<any>>, %arg3: memref<32x16384xf32, #tpu.memory_space<vmem>>, %arg4: memref<32x16384xf32, #tpu.memory_space<vmem>>) attributes {dimension_semantics = [#tpu.dimension_semantics<arbitrary>, #tpu.dimension_semantics<arbitrary>], iteration_bounds = array<i64: 1, 3>, scalar_prefetch = 0 : i64, scratch_operands = 0 : i64, tpu.core_type = #tpu.core_type<tc>, window_params = [{}, {transform_indices = @transform_1, window_bounds = array<i64: 32, 16384>}, {transform_indices = @transform_2, window_bounds = array<i64: 32, 16384>}]} {
    %get3A = arith.constant 0 : index
    %get3A_0 = arith.constant 0 : index
    %get3A_1 = vector.load %arg3[%get3A, %get3A_0] : memref<32x16384xf32, #tpu.memory_space<vmem>>, vector<32x16384xf32>
    %swap3A = arith.constant 0 : index
    %swap3A_2 = arith.constant 0 : index
    %swap3A_3 = vector.load %arg4[%swap3A, %swap3A_2] : memref<32x16384xf32, #tpu.memory_space<vmem>>, vector<32x16384xf32>
    tpu.vector_store %arg4[%swap3A, %swap3A_2], %get3A_1 {strides = array<i32>} : memref<32x16384xf32, #tpu.memory_space<vmem>>, vector<32x16384xf32>,
    return
  }
  func.func @transform_1(%arg0: i32, %arg1: i32) -> (i32, i32) {
    %c0_i32 = arith.constant 0 : i32
    return %arg1, %arg0 : i32, i32
  }
  func.func @transform_2(%arg0: i32, %arg1: i32) -> (i32, i32) {
    %add3A = arith.constant 16 : i32
    %add3A_0 = arith.addi %add3A, %arg1 : i32
    %c0_i32 = arith.constant 0 : i32
    return %add3A_0, %arg0 : i32, i32
  }
}

module attributes {stable_mosaic.version = 14 : i64} {
  func.func @_renorm_body(%arg0: memref<80x96xf32, #tpu.memory_space<vmem>>, %arg1: memref<96x96xf32, #tpu.memory_space<vmem>>) attributes {dimension_semantics = [], scalar_prefetch = 0 : i64, scratch_operands = 0 : i64, tpu.core_type = #tpu.core_type<tc>} {
    %get3A = arith.constant 0 : index
    %get3A_0 = arith.constant 0 : index
    %get3A_1 = vector.load %arg0[%get3A, %get3A_0] : memref<80x96xf32, #tpu.memory_space<vmem>>, vector<80x96xf32>
    %mul3A = arith.mulf %get3A_1, %get3A_1 : vector<80x96xf32>
    %reduce_sum3A = arith.constant dense<0.000000e+00> : vector<80xf32>
    %reduce_sum3A_2 = vector.multi_reduction <add>, %mul3A, %reduce_sum3A [1] : vector<80x96xf32> to vector<80xf32>
    %broadcast_in_dim3A = vector.shape_cast %reduce_sum3A_2 : vector<80xf32> to vector<80x1xf32>
    %gt3A = arith.constant 1.000000e+00 : f32
    %gt3A_3 = vector.broadcast %gt3A : f32 to vector<80x1xf32>
    %gt3A_4 = arith.cmpf ogt, %broadcast_in_dim3A, %gt3A_3 : vector<80x1xf32>
    %rsqrt3A = math.rsqrt %broadcast_in_dim3A : vector<80x1xf32>
    %jit3A = arith.constant 1.000000e+00 : f32
    %broadcast_in_dim3A_5 = vector.broadcast %jit3A : f32 to vector<80x1xf32>
    %select_n3A = arith.select %gt3A_4, %rsqrt3A, %broadcast_in_dim3A_5 : vector<80x1xi1>, vector<80x1xf32>
    %mul3A_6 = vector.broadcast %select_n3A : vector<80x1xf32> to vector<80x96xf32>
    %mul3A_7 = arith.mulf %get3A_1, %mul3A_6 : vector<80x96xf32>
    %transpose3A = tpu.transpose %mul3A_7, [1, 0] : vector<80x96xf32> -> vector<96x80xf32>
    %broadcast_in_dim3A_8 = arith.constant 0.000000e+00 : f32
    %broadcast_in_dim3A_9 = vector.broadcast %broadcast_in_dim3A_8 : f32 to vector<96x16xf32>
    %concatenate3A = tpu.concatenate %transpose3A, %broadcast_in_dim3A_9 in 1 : vector<96x80xf32>, vector<96x16xf32> -> vector<96x96xf32>
    %swap3A = arith.constant 0 : index
    %swap3A_10 = arith.constant 0 : index
    %swap3A_11 = vector.load %arg1[%swap3A, %swap3A_10] : memref<96x96xf32, #tpu.memory_space<vmem>>, vector<96x96xf32>
    tpu.vector_store %arg1[%swap3A, %swap3A_10], %concatenate3A {strides = array<i32>} : memref<96x96xf32, #tpu.memory_space<vmem>>, vector<96x96xf32>,
    return
  }
}

</mosaic_0001>

<sc_bundles>
// kernel: kernel.6.cloned.1.call-start
scs
__scs_entry_jumppad:
0x0: {  	(pc) =	sbr.rel $0x88, $3  }
0x1: {  	(tag) =	ssettag $0x0;
	lr =	simm.s32 $0x1  }
0x2: {  	[smem:$0x3F9E] =	sst lr;
	_ =	strace $0xD0000000  }
0x3: {  	_ = 	snop  }
0x4: {  	_ = 	snop  }
0x5: {  	_ = 	snop  }
0x6: {  	_ = 	snop  }
0x7: {  	_ = 	snop  }
__scs_overlays_trampoline_lowered:
0x8: {  	[smem:$0x3FAD] =	sst s0  }
0x9: {  	[smem:$0x3FAE] =	sst s1  }
0xa: {  	[smem:$0x3FAF] =	sst s2  }
0xb: {  	[smem:$0x3FB0] =	sst s3  }
0xc: {  	[smem:$0x3FB1] =	sst s4  }
0xd: {  	[smem:$0x3FB2] =	sst s5  }
0xe: {  	[smem:$0x3FB3] =	sst s6  }
0xf: {  	[smem:$0x3FB4] =	sst s7  }
0x10: {  	[smem:$0x3FB5] =	sst s8  }
0x11: {  	[smem:$0x3FB6] =	sst s9;
	s0 =	simm.s32 @!p0 $0x0  }
0x12: {  	s1 =	sld [smem:$0x3F9C];
	s0 =	simm.s32 @p0 $0x1  }
0x13: {  	[smem:$0x3FB7] =	sst s0;
	s0 =	simm.s32 @!p1 $0x0  }
0x14: {  	s2 =	sld [smem:$0x3F9B];
	s0 =	simm.s32 @p1 $0x1  }
0x15: {  	[smem:$0x3FB8] =	sst s0;
	s0 =	simm.s32 @!p2 $0x0  }
0x16: {  	s3 =	sld [smem:$0x3FDB];
	s0 =	simm.s32 @p2 $0x1  }
0x17: {  	s4 =	simm.s32 $0x1BF5;
	[smem:$0x3FBA] =	sst s0  }
0x18: {  	s0 =	sld [smem:$0x3F9D];
	_ =	swait.ge [sflag:s4], $0x0  }
0x19: {  	s7 =	sld [smem:$0x3F9E]  }
0x1a: {  	s8 =	sadd.s32 $0xFFFFE003, lr  }
0x1b: {  	s9 =	sadd.s32 $0xFFFFFEF7, lr;
	s5 =	simm.s32 $0xFFFFFFFF;
	p2 =	slt.u32 s8, $0xFFFFF086  }
0x1c: {  	p1 =	slt.u32 s9, $0xF7A;
	s5 =	simm.s32 @!p2 $0x0  }
0x1d: {  	s5 =	simm.s32 @p1 $0x1;
	p0 =	seq.s32 s7, s2  }
0x1e: {  	s7 =	smul.u32 @!p0 $0xF7A, s2;
	p2 =	seq.s32 @!p0 s5, $0x0  }
0x1f: {  	s9 =	smul.u32 $0xF7A, s1;
	s8 =	simm.s32 @!p0 $0x1BF5;
	p2 =	por !p2, p0  }
0x20: {  	[sflag:s8] =	ssyncset.s32 @!p0 $0xFFFFF086;
	s6 =	sadd.s32 @!p0 s3, s7;
	s7 =	simm.s32 @!p0 $0x108  }
0x21: {  	s3 =	sadd.s32 s3, s9;
	s6 =	sadd.s32 @!p0 $0x88, s6;
	s7 =	simm.s32 @p2 $0x1082  }
0x22: {  	[simem:s7], [sflag:s8] =	dma.local @!p0 [hbm:s6], $0xF7A  }
0x23: {  	s9 =	sor.u32 $0xD0000000, s2;
	s6 =	simm.s32 $0x108;
	_ =	swait.ge @!p0 [sflag:s8], $0x0  }
0x24: {  	s3 =	sadd.s32 $0x88, s3;
	s6 =	simm.s32 @!p1 $0x1082;
	[sflag:s4] =	ssyncset.s32 $0xFFFFF086  }
0x25: {  	[simem:s6], [sflag:s4] =	dma.local [hbm:s3], $0xF7A  }
0x26: {  	[smem:$0x3F9E] =	sst s1;
	(tag) =	ssettag s2;
	_ =	strace s9  }
0x27: {  	s1 =	sld [smem:$0x3FAE]  }
0x28: {  	s2 =	sld [smem:$0x3FAF]  }
0x29: {  	s4 =	sld [smem:$0x3FB1]  }
0x2a: {  	p0 =	seq.s32 s5, $0x0;
	s5 =	sld [smem:$0x3FB2]  }
0x2b: {  	s6 =	sld [smem:$0x3FB3]  }
0x2c: {  	s7 =	sld [smem:$0x3FB4]  }
0x2d: {  	s3 =	simm.s32 $0x108;
	s8 =	sld [smem:$0x3FB5]  }
0x2e: {  	s3 =	simm.s32 @!p0 $0x1082;
	s9 =	sld [smem:$0x3FB6]  }
0x2f: {  	lr =	sadd.s32 s0, s3;
	s0 =	sld [smem:$0x3FAD]  }
0x30: {  	s3 =	sld [smem:$0x3FB0]  }
0x31: {  	[smem:$0x3FB9] =	sst s10  }
0x32: {  	s10 =	sld [smem:$0x3FB7];
	_ =	sdelay $0x3  }
0x33: {  	p0 =	seq.s32 s10, $0x1;
	s10 =	sld [smem:$0x3FB9];
	_ =	sdelay $0x3  }
0x34: {  	[smem:$0x3FB9] =	sst s10  }
0x35: {  	s10 =	sld [smem:$0x3FB8];
	_ =	sdelay $0x3  }
0x36: {  	p1 =	seq.s32 s10, $0x1;
	s10 =	sld [smem:$0x3FB9];
	_ =	sdelay $0x3  }
0x37: {  	[smem:$0x3FB9] =	sst s10  }
0x38: {  	s10 =	sld [smem:$0x3FBA]  }
0x39: {  	_ = 	snop;
	(pc) =	sbr.ind lr, $3  }
0x3a: {  	_ = 	snop  }
0x3b: {  	_ = 	snop  }
0x3c: {  	p2 =	seq.s32 s10, $0x1;
	s10 =	sld [smem:$0x3FB9]  }
0x3d: {  	_ =	shalt  }
0x3e: {  	_ =	shalt  }
0x3f: {  	_ =	shalt  }
0x40: {  	_ =	shalt  }
0x41: {  	_ =	shalt  }
0x42: {  	_ =	shalt  }
0x43: {  	_ =	shalt  }
0x44: {  	_ =	shalt  }
0x45: {  	_ =	shalt  }
0x46: {  	_ =	shalt  }
0x47: {  	_ =	shalt  }
0x48: {  	_ =	shalt  }
0x49: {  	_ =	shalt  }
0x4a: {  	_ =	shalt  }
0x4b: {  	_ =	shalt  }
0x4c: {  	_ =	shalt  }
0x4d: {  	_ =	shalt  }
0x4e: {  	_ =	shalt  }
0x4f: {  	_ =	shalt  }
0x50: {  	_ =	shalt  }
0x51: {  	_ =	shalt  }
0x52: {  	_ =	shalt  }
0x53: {  	_ =	shalt  }
0x54: {  	_ =	shalt  }
0x55: {  	_ =	shalt  }
0x56: {  	_ =	shalt  }
0x57: {  	_ =	shalt  }
0x58: {  	_ =	shalt  }
0x59: {  	_ =	shalt  }
0x5a: {  	_ =	shalt  }
0x5b: {  	_ =	shalt  }
0x5c: {  	_ =	shalt  }
0x5d: {  	_ =	shalt  }
0x5e: {  	_ =	shalt  }
0x5f: {  	_ =	shalt  }
0x60: {  	_ =	shalt  }
0x61: {  	_ =	shalt  }
0x62: {  	_ =	shalt  }
0x63: {  	_ =	shalt  }
0x64: {  	_ =	shalt  }
0x65: {  	_ =	shalt  }
0x66: {  	_ =	shalt  }
0x67: {  	_ =	shalt  }
0x68: {  	_ =	shalt  }
0x69: {  	_ =	shalt  }
0x6a: {  	_ =	shalt  }
0x6b: {  	_ =	shalt  }
0x6c: {  	_ =	shalt  }
0x6d: {  	_ =	shalt  }
0x6e: {  	_ =	shalt  }
0x6f: {  	_ =	shalt  }
0x70: {  	_ =	shalt  }
0x71: {  	_ =	shalt  }
0x72: {  	_ =	shalt  }
0x73: {  	_ =	shalt  }
0x74: {  	_ =	shalt  }
0x75: {  	_ =	shalt  }
0x76: {  	_ =	shalt  }
0x77: {  	_ =	shalt  }
0x78: {  	_ =	shalt  }
0x79: {  	_ =	shalt  }
0x7a: {  	_ =	shalt  }
0x7b: {  	_ =	shalt  }
0x7c: {  	_ =	shalt  }
0x7d: {  	_ =	shalt  }
0x7e: {  	_ =	shalt  }
0x7f: {  	_ =	shalt  }
0x80: {  	_ =	shalt  }
0x81: {  	_ =	shalt  }
0x82: {  	_ =	shalt  }
0x83: {  	_ =	shalt  }
0x84: {  	_ =	shalt  }
0x85: {  	_ =	shalt  }
0x86: {  	_ =	shalt  }
0x87: {  	_ =	shalt  }
.Lfunc_end0:
.L_simem_size_0:
called_computation_lowered:
.L_overlay_start_0:
0x88: {  	s2 =	sld [smem:$0x3FD9]  }
0x89: {  	s3 =	sld [smem:$0x3FFE];
	_ =	sdelay $0x1  }
0x8a: {  	s1 =	srdreg.scid  }
0x8b: {  	s0 =	sand.u32 $0x1, s1  }
0x8c: {  	s17 =	sshll.u32 s0, $0xA;
	s2 =	sadd.s32 s3, s2  }
0x8d: {  	s2 =	sadd.s32 s2, s17  }
0x8e: {  	[smem:$0x3FC5] =	sst s2  }
0x8f: {  	_ = 	snop  }
0x90: {  	s2 =	sld [smem:$0x3FC8];
	(tm) =	ssettm $0x1  }
0x91: {  	s18 =	sld [smem:$0x3FFB];
	_ =	sdelay $0x3  }
0x92: {  	_ =	strace s18  }
0x93: {  	s3 =	sld [smem:$0x3FFC];
	_ =	sdelay $0x3  }
0x94: {  	_ =	strace s3  }
0x95: {  	s3 =	sld [smem:$0x3FFD];
	_ =	sdelay $0x3  }
0x96: {  	_ =	strace s3  }
0x97: {  	_ =	strace $0x8FFFFFFF  }
0x98: {  	s19 =	sld [smem:$0x3FDB];
	_ =	sdelay $0x1  }
0x99: {  	s4 =	simm.s32 $_scs_section_size  }
0x9a: {  	s5 =	simm.s32 $_size__tile_overlayer_lowered;
	s6 =	simm.s32 $_tile_overlayer_lowered  }
0x9b: {  	s22 =	simm.s32 $0x1BFF;
	s21 =	sshll.u32 s6, $0x1;
	s3 =	sadd.s32 s4, s19  }
0x9c: {  	s7 =	simm.s32 $0x0;
	s20 =	sshll.u32 s5, $0x1;
	s5 =	sadd.s32 s21, s3  }
0x9d: {  	[timem:s7], [sflag:s22] =	dma.local [hbm:s5], s20  }
0x9e: {  	_ =	swait.ge [sflag:s22], s20  }
0x9f: {  	s4 =	ssub.s32 $0x0, s20;
	[sflag:s22] =	ssyncset.done $0x0  }
0xa0: {  	[sflag:s22] =	ssyncadd.s32 s4;
	_ =	sdelay $0x1  }
0xa1: {  	s23 =	simm.s32 $0x1B8B  }
0xa2: {  	_ =	swait.ge [sflag:s23], $0x1  }
0xa3: {  	[sflag:s23] =	ssyncset.done $0x0  }
0xa4: {  	s25 =	simm.s32 $0x1B8E;
	s24 =	sld [smem:$0x3FFE];
	[sflag:s23] =	ssyncadd.s32 $0xFFFFFFFF  }
0xa5: {  	s26 =	simm.s32 $execute0_lowered;
	[smem:$0x3FD2] =	sst s25  }
0xa6: {  	s5 =	sshll.u32 s26, $0x1;
	_ =	strace $0x80000046;
	[dreg:$0x1] =	wrdreg $0xFFFFFFFF  }
0xa7: {  	s28 =	simm.s32 $_size_execute0_lowered;
	s3 =	sadd.s32 s3, s5;
	[dreg:$0x0] =	wrdreg $0x0  }
0xa8: {  	s5 =	sshll.u32 s28, $0x1;
	[dreg:$0x2] =	wrdreg s3  }
0xa9: {  	[dreg:$0x3] =	wrdreg s5  }
0xaa: {  	[dreg:$0x4] =	wrdreg $0xC0  }
0xab: {  	_ =	task [dreg:s7], $0x5FFFF  }
0xac: {  	[dreg:$0x1] =	wrdreg $0xFFFFFFFF  }
0xad: {  	[dreg:$0x0] =	wrdreg $0x60  }
0xae: {  	[dreg:$0x2] =	wrdreg s2  }
0xaf: {  	[dreg:$0x3] =	wrdreg s24  }
0xb0: {  	[dreg:$0x4] =	wrdreg $0x9  }
0xb1: {  	_ =	task.clear_ibuf [dreg:s7], $0x5FFFF;
	_ =	strace $0x90000046  }
0xb2: {  	s29 =	simm.s32 $0x9;
	_ =	strace $0x80000048  }
0xb3: {  	_ =	swait.ge [sflag:s29], $0x1  }
0xb4: {  	[sflag:s29] =	ssyncadd.s32 $0xFFFFFFFF  }
0xb5: {  	_ =	strace $0x90000048  }
0xb6: {  	_ =	sfence  }
0xb7: {  	s30 =	sld [smem:$0x0];
	_ =	sdelay $0x2  }
0xb8: {  	s31 =	sshll.u32 s1, $0xD;
	s1 =	sshrl.u32 s1, $0x2  }
0xb9: {  	s3 =	sand.u32 $0x4000, s31;
	s1 =	sadd.s32 s1, s30  }
0xba: {  	s0 =	sor.u32 s3, s0;
	s1 =	sshll.u32 s1, $0x11  }
0xbb: {  	s0 =	sor.u32 s1, s0  }
0xbc: {  	s0 =	sadd.s32 $0x8F2B, s0  }
0xbd: {  	[sflag:s0] =	ssyncadd.remote.s32 $0x1  }
0xbe: {  	_ =	sfence.sel $0xFFFF  }
0xbf: {  	[dreg:$0x0] =	wrdreg $0xFFFFFFFF;
	(pc) =	sbr.abs _section_cstart, $3  }
0xc0: {  	[dreg:$0x1] =	wrdreg $0xFFFFFFFF  }
0xc1: {  	_ =	task.clear_ibuf [dreg:s7], $0x2FFFF;
	_ =	strace $0x9FFFFFFF  }
0xc2: {  	(tm) =	ssettm $0x7FFFFFFF  }
0xc3: {  	_ =	shalt  }
tec
execute0_lowered:
.L_overlay_start_1:
0x0: {  	(tag) =	ssettag $0x1  }
0x1: {  	s4 =	rddreg [dreg:$0x0]  }
0x2: {  	s5 =	rddreg [dreg:$0x1]  }
0x3: {  	s0 =	rddreg [dreg:$0x2]  }
0x4: {  	s2 =	simm.s32 $0x0;
	s3 =	srdreg.scid;
	s1 =	stileid.u32  }
0x5: {  	s9 =	simm.s32 $0x1000;
	s10 =	simm.s32 $0x20000;
	s11 =	simm.s32 $0x3200  }
0x6: {  	s12 =	simm.s32 $0x0;
	[smem:$0x7FF] =	sst s2;
	s3 =	sand.u32 $0x1, s3  }
0x7: {  	s6 =	sshll.u32 s1, $0xA;
	_ =	strace $0x80000047;
	s7 =	sshll.u32 s3, $0x9  }
0x8: {  	s8 =	ssub.s32 $0x2, s3;
	s3 =	sadd.s32 $0xA00, s5;
	s6 =	sor.u32 s7, s6  }
0x9: {  	s31 =	sshrl.u32 s8, $0x1;
	s5 =	sadd.s32 s6, s5;
	s6 =	sshrl.u32 s6, $0x3  }
0xa: {  	s7 =	ssub.s32 s8, s31;
	s8 =	simm.s32 $0x200;
	s4 =	sadd.s32 s4, s6  }
0xb: {  	s5 =	sadd.s32 $0x1000, s5;
	s6 =	smax.u32 s7, $0x1;
	s7 =	simm.s32 $0x1  }
.LBB2_1:
0xc: {  	[tilespmem:s2], [sflag:$0x1] =	stream.linear.gather [hbm4b:s4+s2], $0x200, $0x38;
	[tilespmem:$0xF200] =	vst v63  }
0xd: {  	_ =	swait.ge [sflag:s7], $0x200  }
0xe: {  	[sflag:s7] =	ssyncset.done $0x0  }
0xf: {  	[sflag:s7] =	ssyncadd.s32 $0xFFFFFE00  }
0x10: {  	[tilespmem:s8], [sflag:$0x1] =	stream.linear.gather [hbm4b:s3+s2], $0x3000, $0x38;
	[tilespmem:$0xF200] =	vst v63  }
0x11: {  	_ =	swait.ge [sflag:s7], $0x3000  }
0x12: {  	s13 =	simm.s32 $0x0;
	[sflag:s7] =	ssyncset.done $0x0  }
0x13: {  	s14 =	simm.s32 $0x0;
	s15 =	simm.s32 $0x0;
	[sflag:s7] =	ssyncadd.s32 $0xFFFFD000  }
.LBB2_2:
0x14: {  	v0 =	vld [tilespmem:s13+$0x0];
	_ =	sdelay $0x7  }
0x15: {  	v1 =	vld.idx.msk [tilespmem:v0+s8+$0x0], $0xffff  }
0x16: {  	v2 =	vadd.s32 $0x80, v0;
	_ =	sdelay $0x1  }
0x17: {  	s16 =	sand.u32 $0x70, s15;
	s17 =	sand.u32 $0xC00, s14  }
0x18: {  	s16 =	sor.u32 s16, s17  }
0x19: {  	[tilespmem:s16+$0x3200] =	vst v1  }
0x1a: {  	v1 =	vld.idx.msk [tilespmem:v2+s8+$0x0], $0xffff  }
0x1b: {  	v31 =	vadd.s32 $0x100, v0;
	_ =	sdelay $0x3  }
0x1c: {  	[tilespmem:s16+$0x3280] =	vst v1  }
0x1d: {  	v1 =	vld.idx.msk [tilespmem:v31+s8+$0x0], $0xffff  }
0x1e: {  	v32 =	vadd.s32 $0x180, v0;
	_ =	sdelay $0x3  }
0x1f: {  	[tilespmem:s16+$0x3300] =	vst v1  }
0x20: {  	v1 =	vld.idx.msk [tilespmem:v32+s8+$0x0], $0xffff  }
0x21: {  	v33 =	vadd.s32 $0x200, v0;
	_ =	sdelay $0x3  }
0x22: {  	[tilespmem:s16+$0x3380] =	vst v1  }
0x23: {  	v1 =	vld.idx.msk [tilespmem:v33+s8+$0x0], $0xffff  }
0x24: {  	v34 =	vadd.s32 $0x280, v0;
	_ =	sdelay $0x3  }
0x25: {  	[tilespmem:s16+$0x3400] =	vst v1  }
0x26: {  	v1 =	vld.idx.msk [tilespmem:v34+s8+$0x0], $0xffff  }
0x27: {  	v35 =	vadd.s32 $0x300, v0;
	_ =	sdelay $0x3  }
0x28: {  	[tilespmem:s16+$0x3480] =	vst v1  }
0x29: {  	v1 =	vld.idx.msk [tilespmem:v35+s8+$0x0], $0xffff  }
0x2a: {  	v36 =	vadd.s32 $0x380, v0;
	_ =	sdelay $0x3  }
0x2b: {  	[tilespmem:s16+$0x3500] =	vst v1  }
0x2c: {  	v1 =	vld.idx.msk [tilespmem:v36+s8+$0x0], $0xffff  }
0x2d: {  	v37 =	vadd.s32 $0x400, v0;
	_ =	sdelay $0x1  }
0x2e: {  	s31 =	sor.u32 s14, s15  }
0x2f: {  	s17 =	sor.u32 $0x380, s31  }
0x30: {  	[tilespmem:s17+$0x3200] =	vst v1  }
0x31: {  	v1 =	vld.idx.msk [tilespmem:v37+s8+$0x0], $0xffff  }
0x32: {  	v38 =	vadd.s32 $0x480, v0;
	_ =	sdelay $0x3  }
0x33: {  	[tilespmem:s16+$0x4200] =	vst v1  }
0x34: {  	v1 =	vld.idx.msk [tilespmem:v38+s8+$0x0], $0xffff  }
0x35: {  	v39 =	vadd.s32 $0x500, v0;
	_ =	sdelay $0x3  }
0x36: {  	[tilespmem:s16+$0x4280] =	vst v1  }
0x37: {  	v1 =	vld.idx.msk [tilespmem:v39+s8+$0x0], $0xffff  }
0x38: {  	v40 =	vadd.s32 $0x580, v0;
	_ =	sdelay $0x3  }
0x39: {  	[tilespmem:s16+$0x4300] =	vst v1  }
0x3a: {  	v1 =	vld.idx.msk [tilespmem:v40+s8+$0x0], $0xffff  }
0x3b: {  	v41 =	vadd.s32 $0x600, v0;
	_ =	sdelay $0x3  }
0x3c: {  	[tilespmem:s16+$0x4380] =	vst v1  }
0x3d: {  	v1 =	vld.idx.msk [tilespmem:v41+s8+$0x0], $0xffff  }
0x3e: {  	v42 =	vadd.s32 $0x680, v0;
	_ =	sdelay $0x3  }
0x3f: {  	[tilespmem:s16+$0x4400] =	vst v1  }
0x40: {  	v1 =	vld.idx.msk [tilespmem:v42+s8+$0x0], $0xffff  }
0x41: {  	v43 =	vadd.s32 $0x700, v0;
	_ =	sdelay $0x3  }
0x42: {  	[tilespmem:s16+$0x4480] =	vst v1  }
0x43: {  	v1 =	vld.idx.msk [tilespmem:v43+s8+$0x0], $0xffff  }
0x44: {  	v44 =	vadd.s32 $0x780, v0;
	_ =	sdelay $0x3  }
0x45: {  	[tilespmem:s16+$0x4500] =	vst v1  }
0x46: {  	v1 =	vld.idx.msk [tilespmem:v44+s8+$0x0], $0xffff  }
0x47: {  	v45 =	vadd.s32 $0x800, v0;
	_ =	sdelay $0x3  }
0x48: {  	[tilespmem:s16+$0x4580] =	vst v1  }
0x49: {  	v1 =	vld.idx.msk [tilespmem:v45+s8+$0x0], $0xffff  }
0x4a: {  	v46 =	vadd.s32 $0x880, v0;
	_ =	sdelay $0x3  }
0x4b: {  	[tilespmem:s16+$0x5200] =	vst v1  }
0x4c: {  	v1 =	vld.idx.msk [tilespmem:v46+s8+$0x0], $0xffff  }
0x4d: {  	v47 =	vadd.s32 $0x900, v0;
	_ =	sdelay $0x3  }
0x4e: {  	[tilespmem:s16+$0x5280] =	vst v1  }
0x4f: {  	v1 =	vld.idx.msk [tilespmem:v47+s8+$0x0], $0xffff  }
0x50: {  	v48 =	vadd.s32 $0x980, v0;
	_ =	sdelay $0x3  }
0x51: {  	[tilespmem:s16+$0x5300] =	vst v1  }
0x52: {  	v1 =	vld.idx.msk [tilespmem:v48+s8+$0x0], $0xffff  }
0x53: {  	v49 =	vadd.s32 $0xA00, v0;
	_ =	sdelay $0x3  }
0x54: {  	[tilespmem:s16+$0x5380] =	vst v1  }
0x55: {  	v1 =	vld.idx.msk [tilespmem:v49+s8+$0x0], $0xffff  }
0x56: {  	v50 =	vadd.s32 $0xA80, v0;
	_ =	sdelay $0x3  }
0x57: {  	[tilespmem:s16+$0x5400] =	vst v1  }
0x58: {  	v1 =	vld.idx.msk [tilespmem:v50+s8+$0x0], $0xffff  }
0x59: {  	v51 =	vadd.s32 $0xB00, v0;
	_ =	sdelay $0x3  }
0x5a: {  	[tilespmem:s16+$0x5480] =	vst v1  }
0x5b: {  	v1 =	vld.idx.msk [tilespmem:v51+s8+$0x0], $0xffff  }
0x5c: {  	v52 =	vadd.s32 $0xB80, v0;
	_ =	sdelay $0x3  }
0x5d: {  	[tilespmem:s16+$0x5500] =	vst v1  }
0x5e: {  	v1 =	vld.idx.msk [tilespmem:v52+s8+$0x0], $0xffff  }
0x5f: {  	v53 =	vadd.s32 $0xC00, v0;
	_ =	sdelay $0x3  }
0x60: {  	[tilespmem:s16+$0x5580] =	vst v1  }
0x61: {  	v1 =	vld.idx.msk [tilespmem:v53+s8+$0x0], $0xffff  }
0x62: {  	v54 =	vadd.s32 $0xC80, v0;
	_ =	sdelay $0x3  }
0x63: {  	[tilespmem:s16+$0x6200] =	vst v1  }
0x64: {  	v1 =	vld.idx.msk [tilespmem:v54+s8+$0x0], $0xffff  }
0x65: {  	v55 =	vadd.s32 $0xD00, v0;
	_ =	sdelay $0x3  }
0x66: {  	[tilespmem:s16+$0x6280] =	vst v1  }
0x67: {  	v1 =	vld.idx.msk [tilespmem:v55+s8+$0x0], $0xffff  }
0x68: {  	v56 =	vadd.s32 $0xD80, v0;
	_ =	sdelay $0x3  }
0x69: {  	[tilespmem:s16+$0x6300] =	vst v1  }
0x6a: {  	v1 =	vld.idx.msk [tilespmem:v56+s8+$0x0], $0xffff  }
0x6b: {  	v57 =	vadd.s32 $0xE00, v0;
	_ =	sdelay $0x3  }
0x6c: {  	[tilespmem:s16+$0x6380] =	vst v1  }
0x6d: {  	v1 =	vld.idx.msk [tilespmem:v57+s8+$0x0], $0xffff  }
0x6e: {  	v58 =	vadd.s32 $0xE80, v0;
	_ =	sdelay $0x3  }
0x6f: {  	[tilespmem:s16+$0x6400] =	vst v1  }
0x70: {  	v1 =	vld.idx.msk [tilespmem:v58+s8+$0x0], $0xffff  }
0x71: {  	v59 =	vadd.s32 $0xF00, v0;
	_ =	sdelay $0x3  }
0x72: {  	[tilespmem:s16+$0x6480] =	vst v1  }
0x73: {  	v1 =	vld.idx.msk [tilespmem:v59+s8+$0x0], $0xffff  }
0x74: {  	v60 =	vadd.s32 $0xF80, v0;
	_ =	sdelay $0x3  }
0x75: {  	[tilespmem:s16+$0x6500] =	vst v1  }
0x76: {  	v1 =	vld.idx.msk [tilespmem:v60+s8+$0x0], $0xffff  }
0x77: {  	v61 =	vadd.s32 $0x1000, v0;
	_ =	sdelay $0x3  }
0x78: {  	[tilespmem:s16+$0x6580] =	vst v1  }
0x79: {  	v1 =	vld.idx.msk [tilespmem:v61+s8+$0x0], $0xffff  }
0x7a: {  	v62 =	vadd.s32 $0x1080, v0;
	_ =	sdelay $0x3  }
0x7b: {  	[tilespmem:s16+$0x7200] =	vst v1  }
0x7c: {  	v1 =	vld.idx.msk [tilespmem:v62+s8+$0x0], $0xffff  }
0x7d: {  	v63 =	vadd.s32 $0x1100, v0;
	_ =	sdelay $0x3  }
0x7e: {  	[tilespmem:s16+$0x7280] =	vst v1  }
0x7f: {  	v1 =	vld.idx.msk [tilespmem:v63+s8+$0x0], $0xffff  }
0x80: {  	v4 =	vadd.s32 $0x1180, v0;
	_ =	sdelay $0x3  }
0x81: {  	[tilespmem:s16+$0x7300] =	vst v1  }
0x82: {  	v1 =	vld.idx.msk [tilespmem:v4+s8+$0x0], $0xffff  }
0x83: {  	v5 =	vadd.s32 $0x1200, v0;
	_ =	sdelay $0x3  }
0x84: {  	[tilespmem:s16+$0x7380] =	vst v1  }
0x85: {  	v1 =	vld.idx.msk [tilespmem:v5+s8+$0x0], $0xffff  }
0x86: {  	v6 =	vadd.s32 $0x1280, v0;
	_ =	sdelay $0x3  }
0x87: {  	[tilespmem:s16+$0x7400] =	vst v1  }
0x88: {  	v1 =	vld.idx.msk [tilespmem:v6+s8+$0x0], $0xffff  }
0x89: {  	v7 =	vadd.s32 $0x1300, v0;
	_ =	sdelay $0x3  }
0x8a: {  	[tilespmem:s16+$0x7480] =	vst v1  }
0x8b: {  	v1 =	vld.idx.msk [tilespmem:v7+s8+$0x0], $0xffff  }
0x8c: {  	v8 =	vadd.s32 $0x1380, v0;
	_ =	sdelay $0x3  }
0x8d: {  	[tilespmem:s16+$0x7500] =	vst v1  }
0x8e: {  	v1 =	vld.idx.msk [tilespmem:v8+s8+$0x0], $0xffff  }
0x8f: {  	v9 =	vadd.s32 $0x1400, v0;
	_ =	sdelay $0x3  }
0x90: {  	[tilespmem:s16+$0x7580] =	vst v1  }
0x91: {  	v1 =	vld.idx.msk [tilespmem:v9+s8+$0x0], $0xffff  }
0x92: {  	v10 =	vadd.s32 $0x1480, v0;
	_ =	sdelay $0x3  }
0x93: {  	[tilespmem:s16+$0x8200] =	vst v1  }
0x94: {  	v1 =	vld.idx.msk [tilespmem:v10+s8+$0x0], $0xffff  }
0x95: {  	v11 =	vadd.s32 $0x1500, v0;
	_ =	sdelay $0x3  }
0x96: {  	[tilespmem:s16+$0x8280] =	vst v1  }
0x97: {  	v1 =	vld.idx.msk [tilespmem:v11+s8+$0x0], $0xffff  }
0x98: {  	v12 =	vadd.s32 $0x1580, v0;
	_ =	sdelay $0x3  }
0x99: {  	[tilespmem:s16+$0x8300] =	vst v1  }
0x9a: {  	v1 =	vld.idx.msk [tilespmem:v12+s8+$0x0], $0xffff  }
0x9b: {  	v13 =	vadd.s32 $0x1600, v0;
	_ =	sdelay $0x3  }
0x9c: {  	[tilespmem:s16+$0x8380] =	vst v1  }
0x9d: {  	v1 =	vld.idx.msk [tilespmem:v13+s8+$0x0], $0xffff  }
0x9e: {  	v14 =	vadd.s32 $0x1680, v0;
	_ =	sdelay $0x3  }
0x9f: {  	[tilespmem:s16+$0x8400] =	vst v1  }
0xa0: {  	v1 =	vld.idx.msk [tilespmem:v14+s8+$0x0], $0xffff  }
0xa1: {  	v15 =	vadd.s32 $0x1700, v0;
	_ =	sdelay $0x3  }
0xa2: {  	[tilespmem:s16+$0x8480] =	vst v1  }
0xa3: {  	v1 =	vld.idx.msk [tilespmem:v15+s8+$0x0], $0xffff  }
0xa4: {  	v16 =	vadd.s32 $0x1780, v0;
	_ =	sdelay $0x3  }
0xa5: {  	[tilespmem:s16+$0x8500] =	vst v1  }
0xa6: {  	v1 =	vld.idx.msk [tilespmem:v16+s8+$0x0], $0xffff  }
0xa7: {  	v17 =	vadd.s32 $0x1800, v0;
	_ =	sdelay $0x3  }
0xa8: {  	[tilespmem:s16+$0x8580] =	vst v1  }
0xa9: {  	v1 =	vld.idx.msk [tilespmem:v17+s8+$0x0], $0xffff  }
0xaa: {  	v18 =	vadd.s32 $0x1880, v0;
	_ =	sdelay $0x3  }
0xab: {  	[tilespmem:s16+$0x9200] =	vst v1  }
0xac: {  	v1 =	vld.idx.msk [tilespmem:v18+s8+$0x0], $0xffff  }
0xad: {  	v19 =	vadd.s32 $0x1900, v0;
	_ =	sdelay $0x3  }
0xae: {  	[tilespmem:s16+$0x9280] =	vst v1  }
0xaf: {  	v1 =	vld.idx.msk [tilespmem:v19+s8+$0x0], $0xffff  }
0xb0: {  	v20 =	vadd.s32 $0x1980, v0;
	_ =	sdelay $0x3  }
0xb1: {  	[tilespmem:s16+$0x9300] =	vst v1  }
0xb2: {  	v1 =	vld.idx.msk [tilespmem:v20+s8+$0x0], $0xffff  }
0xb3: {  	v21 =	vadd.s32 $0x1A00, v0;
	_ =	sdelay $0x3  }
0xb4: {  	[tilespmem:s16+$0x9380] =	vst v1  }
0xb5: {  	v1 =	vld.idx.msk [tilespmem:v21+s8+$0x0], $0xffff  }
0xb6: {  	v22 =	vadd.s32 $0x1A80, v0;
	_ =	sdelay $0x3  }
0xb7: {  	[tilespmem:s16+$0x9400] =	vst v1  }
0xb8: {  	v1 =	vld.idx.msk [tilespmem:v22+s8+$0x0], $0xffff  }
0xb9: {  	v23 =	vadd.s32 $0x1B00, v0;
	_ =	sdelay $0x3  }
0xba: {  	[tilespmem:s16+$0x9480] =	vst v1  }
0xbb: {  	v1 =	vld.idx.msk [tilespmem:v23+s8+$0x0], $0xffff  }
0xbc: {  	v24 =	vadd.s32 $0x1B80, v0;
	_ =	sdelay $0x3  }
0xbd: {  	[tilespmem:s16+$0x9500] =	vst v1  }
0xbe: {  	v1 =	vld.idx.msk [tilespmem:v24+s8+$0x0], $0xffff  }
0xbf: {  	v25 =	vadd.s32 $0x1C00, v0;
	_ =	sdelay $0x3  }
0xc0: {  	[tilespmem:s16+$0x9580] =	vst v1  }
0xc1: {  	v1 =	vld.idx.msk [tilespmem:v25+s8+$0x0], $0xffff  }
0xc2: {  	v26 =	vadd.s32 $0x1C80, v0;
	_ =	sdelay $0x3  }
0xc3: {  	[tilespmem:s16+$0xA200] =	vst v1  }
0xc4: {  	v1 =	vld.idx.msk [tilespmem:v26+s8+$0x0], $0xffff  }
0xc5: {  	v27 =	vadd.s32 $0x1D00, v0;
	_ =	sdelay $0x3  }
0xc6: {  	[tilespmem:s16+$0xA280] =	vst v1  }
0xc7: {  	v1 =	vld.idx.msk [tilespmem:v27+s8+$0x0], $0xffff  }
0xc8: {  	v28 =	vadd.s32 $0x1D80, v0;
	_ =	sdelay $0x3  }
0xc9: {  	[tilespmem:s16+$0xA300] =	vst v1  }
0xca: {  	v1 =	vld.idx.msk [tilespmem:v28+s8+$0x0], $0xffff  }
0xcb: {  	v29 =	vadd.s32 $0x1E00, v0;
	_ =	sdelay $0x3  }
0xcc: {  	[tilespmem:s16+$0xA380] =	vst v1  }
0xcd: {  	v1 =	vld.idx.msk [tilespmem:v29+s8+$0x0], $0xffff  }
0xce: {  	v30 =	vadd.s32 $0x1E80, v0;
	_ =	sdelay $0x3  }
0xcf: {  	[tilespmem:s16+$0xA400] =	vst v1  }
0xd0: {  	v1 =	vld.idx.msk [tilespmem:v30+s8+$0x0], $0xffff  }
0xd1: {  	v31 =	vadd.s32 $0x1F00, v0;
	_ =	sdelay $0x3  }
0xd2: {  	[tilespmem:s16+$0xA480] =	vst v1  }
0xd3: {  	v1 =	vld.idx.msk [tilespmem:v31+s8+$0x0], $0xffff  }
0xd4: {  	v32 =	vadd.s32 $0x1F80, v0;
	_ =	sdelay $0x3  }
0xd5: {  	[tilespmem:s16+$0xA500] =	vst v1  }
0xd6: {  	v1 =	vld.idx.msk [tilespmem:v32+s8+$0x0], $0xffff  }
0xd7: {  	v33 =	vadd.s32 $0x2000, v0;
	_ =	sdelay $0x3  }
0xd8: {  	[tilespmem:s16+$0xA580] =	vst v1  }
0xd9: {  	v1 =	vld.idx.msk [tilespmem:v33+s8+$0x0], $0xffff  }
0xda: {  	v34 =	vadd.s32 $0x2080, v0;
	_ =	sdelay $0x3  }
0xdb: {  	[tilespmem:s16+$0xB200] =	vst v1  }
0xdc: {  	v1 =	vld.idx.msk [tilespmem:v34+s8+$0x0], $0xffff  }
0xdd: {  	v35 =	vadd.s32 $0x2100, v0;
	_ =	sdelay $0x3  }
0xde: {  	[tilespmem:s16+$0xB280] =	vst v1  }
0xdf: {  	v1 =	vld.idx.msk [tilespmem:v35+s8+$0x0], $0xffff  }
0xe0: {  	v36 =	vadd.s32 $0x2180, v0;
	_ =	sdelay $0x3  }
0xe1: {  	[tilespmem:s16+$0xB300] =	vst v1  }
0xe2: {  	v1 =	vld.idx.msk [tilespmem:v36+s8+$0x0], $0xffff  }
0xe3: {  	v37 =	vadd.s32 $0x2200, v0;
	_ =	sdelay $0x3  }
0xe4: {  	[tilespmem:s16+$0xB380] =	vst v1  }
0xe5: {  	v1 =	vld.idx.msk [tilespmem:v37+s8+$0x0], $0xffff  }
0xe6: {  	v38 =	vadd.s32 $0x2280, v0;
	_ =	sdelay $0x3  }
0xe7: {  	[tilespmem:s16+$0xB400] =	vst v1  }
0xe8: {  	v1 =	vld.idx.msk [tilespmem:v38+s8+$0x0], $0xffff  }
0xe9: {  	v39 =	vadd.s32 $0x2300, v0;
	_ =	sdelay $0x3  }
0xea: {  	[tilespmem:s16+$0xB480] =	vst v1  }
0xeb: {  	v1 =	vld.idx.msk [tilespmem:v39+s8+$0x0], $0xffff  }
0xec: {  	v40 =	vadd.s32 $0x2380, v0;
	_ =	sdelay $0x3  }
0xed: {  	[tilespmem:s16+$0xB500] =	vst v1  }
0xee: {  	v1 =	vld.idx.msk [tilespmem:v40+s8+$0x0], $0xffff  }
0xef: {  	v41 =	vadd.s32 $0x2400, v0;
	_ =	sdelay $0x3  }
0xf0: {  	[tilespmem:s16+$0xB580] =	vst v1  }
0xf1: {  	v1 =	vld.idx.msk [tilespmem:v41+s8+$0x0], $0xffff  }
0xf2: {  	v42 =	vadd.s32 $0x2480, v0;
	_ =	sdelay $0x3  }
0xf3: {  	[tilespmem:s16+$0xC200] =	vst v1  }
0xf4: {  	v1 =	vld.idx.msk [tilespmem:v42+s8+$0x0], $0xffff  }
0xf5: {  	v43 =	vadd.s32 $0x2500, v0;
	_ =	sdelay $0x3  }
0xf6: {  	[tilespmem:s16+$0xC280] =	vst v1  }
0xf7: {  	v1 =	vld.idx.msk [tilespmem:v43+s8+$0x0], $0xffff  }
0xf8: {  	v44 =	vadd.s32 $0x2580, v0;
	_ =	sdelay $0x3  }
0xf9: {  	[tilespmem:s16+$0xC300] =	vst v1  }
0xfa: {  	v1 =	vld.idx.msk [tilespmem:v44+s8+$0x0], $0xffff  }
0xfb: {  	v45 =	vadd.s32 $0x2600, v0;
	_ =	sdelay $0x3  }
0xfc: {  	[tilespmem:s16+$0xC380] =	vst v1  }
0xfd: {  	v1 =	vld.idx.msk [tilespmem:v45+s8+$0x0], $0xffff  }
0xfe: {  	v46 =	vadd.s32 $0x2680, v0;
	_ =	sdelay $0x3  }
0xff: {  	[tilespmem:s16+$0xC400] =	vst v1  }
0x100: {  	v1 =	vld.idx.msk [tilespmem:v46+s8+$0x0], $0xffff  }
0x101: {  	v47 =	vadd.s32 $0x2700, v0;
	_ =	sdelay $0x3  }
0x102: {  	[tilespmem:s16+$0xC480] =	vst v1  }
0x103: {  	v1 =	vld.idx.msk [tilespmem:v47+s8+$0x0], $0xffff  }
0x104: {  	v48 =	vadd.s32 $0x2780, v0;
	_ =	sdelay $0x3  }
0x105: {  	[tilespmem:s16+$0xC500] =	vst v1  }
0x106: {  	v1 =	vld.idx.msk [tilespmem:v48+s8+$0x0], $0xffff  }
0x107: {  	v49 =	vadd.s32 $0x2800, v0;
	_ =	sdelay $0x3  }
0x108: {  	[tilespmem:s16+$0xC580] =	vst v1  }
0x109: {  	v1 =	vld.idx.msk [tilespmem:v49+s8+$0x0], $0xffff  }
0x10a: {  	v50 =	vadd.s32 $0x2880, v0;
	_ =	sdelay $0x3  }
0x10b: {  	[tilespmem:s16+$0xD200] =	vst v1  }
0x10c: {  	v1 =	vld.idx.msk [tilespmem:v50+s8+$0x0], $0xffff  }
0x10d: {  	v51 =	vadd.s32 $0x2900, v0;
	_ =	sdelay $0x3  }
0x10e: {  	[tilespmem:s16+$0xD280] =	vst v1  }
0x10f: {  	v1 =	vld.idx.msk [tilespmem:v51+s8+$0x0], $0xffff  }
0x110: {  	v52 =	vadd.s32 $0x2980, v0;
	_ =	sdelay $0x3  }
0x111: {  	[tilespmem:s16+$0xD300] =	vst v1  }
0x112: {  	v1 =	vld.idx.msk [tilespmem:v52+s8+$0x0], $0xffff  }
0x113: {  	v53 =	vadd.s32 $0x2A00, v0;
	_ =	sdelay $0x3  }
0x114: {  	[tilespmem:s16+$0xD380] =	vst v1  }
0x115: {  	v1 =	vld.idx.msk [tilespmem:v53+s8+$0x0], $0xffff  }
0x116: {  	v54 =	vadd.s32 $0x2A80, v0;
	_ =	sdelay $0x3  }
0x117: {  	[tilespmem:s16+$0xD400] =	vst v1  }
0x118: {  	v1 =	vld.idx.msk [tilespmem:v54+s8+$0x0], $0xffff  }
0x119: {  	v55 =	vadd.s32 $0x2B00, v0;
	_ =	sdelay $0x3  }
0x11a: {  	[tilespmem:s16+$0xD480] =	vst v1  }
0x11b: {  	v1 =	vld.idx.msk [tilespmem:v55+s8+$0x0], $0xffff  }
0x11c: {  	v56 =	vadd.s32 $0x2B80, v0;
	_ =	sdelay $0x3  }
0x11d: {  	[tilespmem:s16+$0xD500] =	vst v1  }
0x11e: {  	v1 =	vld.idx.msk [tilespmem:v56+s8+$0x0], $0xffff  }
0x11f: {  	v57 =	vadd.s32 $0x2C00, v0;
	_ =	sdelay $0x3  }
0x120: {  	[tilespmem:s16+$0xD580] =	vst v1  }
0x121: {  	v1 =	vld.idx.msk [tilespmem:v57+s8+$0x0], $0xffff  }
0x122: {  	v58 =	vadd.s32 $0x2C80, v0;
	_ =	sdelay $0x3  }
0x123: {  	[tilespmem:s16+$0xE200] =	vst v1  }
0x124: {  	v1 =	vld.idx.msk [tilespmem:v58+s8+$0x0], $0xffff  }
0x125: {  	v59 =	vadd.s32 $0x2D00, v0;
	_ =	sdelay $0x3  }
0x126: {  	[tilespmem:s16+$0xE280] =	vst v1  }
0x127: {  	v1 =	vld.idx.msk [tilespmem:v59+s8+$0x0], $0xffff  }
0x128: {  	v60 =	vadd.s32 $0x2D80, v0;
	_ =	sdelay $0x3  }
0x129: {  	[tilespmem:s16+$0xE300] =	vst v1  }
0x12a: {  	v1 =	vld.idx.msk [tilespmem:v60+s8+$0x0], $0xffff  }
0x12b: {  	v61 =	vadd.s32 $0x2E00, v0;
	_ =	sdelay $0x3  }
0x12c: {  	[tilespmem:s16+$0xE380] =	vst v1  }
0x12d: {  	v1 =	vld.idx.msk [tilespmem:v61+s8+$0x0], $0xffff  }
0x12e: {  	v62 =	vadd.s32 $0x2E80, v0;
	_ =	sdelay $0x3  }
0x12f: {  	[tilespmem:s16+$0xE400] =	vst v1  }
0x130: {  	v1 =	vld.idx.msk [tilespmem:v62+s8+$0x0], $0xffff  }
0x131: {  	v63 =	vadd.s32 $0x2F00, v0;
	_ =	sdelay $0x3  }
0x132: {  	[tilespmem:s16+$0xE480] =	vst v1  }
0x133: {  	v1 =	vld.idx.msk [tilespmem:v63+s8+$0x0], $0xffff  }
0x134: {  	v0 =	vadd.s32 $0x2F80, v0;
	_ =	sdelay $0x3  }
0x135: {  	[tilespmem:s16+$0xE500] =	vst v1  }
0x136: {  	p0 =	sne.s32 s15, $0x1F0;
	v0 =	vld.idx.msk [tilespmem:v0+s8+$0x0], $0xffff  }
.Ltmp0:
0x137: {  	_ = 	snop;
	(pc) =	sbr.rel @p0 .LBB2_2-.Ltmp0, $2  }
0x138: {  	_ =	sdelay $0x2  }
0x139: {  	s14 =	sadd.s32 $0x80, s14;
	s13 =	sadd.s32 $0x10, s13;
	s15 =	sadd.s32 $0x10, s15;
	[tilespmem:s16+$0xE580] =	vst v0  }
0x13a: {  	s12 =	sadd.s32 $0x1, s12  }
0x13b: {  	p0 =	sne.s32 s12, s6  }
.Ltmp1:
0x13c: {  	_ = 	snop;
	(pc) =	sbr.rel @p0 .LBB2_1-.Ltmp1, $4  }
0x13d: {  	[hbm4b:s5+s9] =	stream.strided.scatter [tilespmem:s11], [sflag:$0x1], $0xC000, s10, s9, $0x38;
	[tilespmem:$0xF200] =	vst v63  }
0x13e: {  	_ =	swait.ge [sflag:s7], $0xC000  }
0x13f: {  	[sflag:s7] =	ssyncset.done $0x0  }
0x140: {  	[sflag:s7] =	ssyncadd.s32 $0xFFFF4000  }
0x141: {  	_ =	sfence.sel $0x180000  }
0x142: {  	[bflag:$0x0] =	sbarrier.arrive $0xFFFF  }
0x143: {  	p0 =	sne.s32 s1, $0x0;
	_ =	strace $0x90000047  }
0x144: {  	s0 =	sadd.s32 @!p0 $0x100000, s0;
	[bflag:$0x2] =	sbarrier.arrive $0xFFFF  }
0x145: {  	[sflag:s0] =	ssyncadd.tile.s32 @!p0 $0x1;
	_ =	shalt  }
.Lfunc_end2:
_tile_overlayer_lowered:
.L_overlay_start_2:
0x146: {  	(tag) =	ssettag $0x2  }
0x147: {  	s0 =	rddreg [dreg:$0x0];
	s2 =	stileid.u32  }
0x148: {  	s1 =	rddreg [dreg:$0x1];
	p0 =	sne.s32 s2, $0x0  }
0x149: {  	s3 =	rddreg [dreg:$0x2];
	[bflag:$0x3] =	sbarrier.arrive $0xFFFF;
	s2 =	simm.s32 @!p0 $0x1C01  }
0x14a: {  	[timem:s3], [sflag:s2] =	dma.local @!p0 [hbm:s0], s1  }
0x14b: {  	s0 =	simm.s32 @!p0 $0x1  }
0x14c: {  	_ =	swait.ge @!p0 [sflag:s0], s1  }
0x14d: {  	s1 =	ssub.s32 @!p0 $0x0, s1;
	[sflag:s0] =	ssyncset.done @!p0 $0x0  }
0x14e: {  	[sflag:s0] =	ssyncadd.s32 @!p0 s1  }
0x14f: {  	[bflag:$0x3] =	sbarrier.arrive $0xFFFF  }
0x150: {  	_ =	shalt  }

</sc_bundles>
